<compile_context>
chip_gen: v7x
topology: tpu7x:2x2x1
jax: 0.10.2.dev20260603
libtpu: 0.0.44.dev20260713+nightly
codegen_flags: <defaults>
</compile_context>

<pallas_src>
import functools
import jax
import jax.numpy as jnp
from jax import lax
from jax.experimental import pallas as pl
from jax.experimental.pallas import tpu as pltpu
from jax.experimental.pallas import tpu_sc as plsc

N_NODES = 10000
N_PAD = 10240
DIM_IN = 128
DIM_H = 64
N_EDGES = 320000
ROW_BLK = 400

NC = 2
NS = 16
NW = NC * NS
EDGES_PER_TILE = N_EDGES // NW
CHUNK = 80
N_CHUNKS = EDGES_PER_TILE // CHUNK
ROWS_PER_TILE = N_PAD // NS

def _sc_degree_body(dst_hbm, zeros_hbm, ones_hbm, out_hbm, idx_v, ones_v, cnt_sh):
    c = lax.axis_index("c")
    s = lax.axis_index("s")
    w = c * NS + s
    row0 = s * ROWS_PER_TILE
    pltpu.sync_copy(zeros_hbm.at[pl.ds(row0, ROWS_PER_TILE)],
                    cnt_sh.at[pl.ds(row0, ROWS_PER_TILE)])
    pltpu.sync_copy(ones_hbm, ones_v)
    plsc.subcore_barrier()
    base = w * EDGES_PER_TILE

    def chunk(i, carry):
        pltpu.sync_copy(dst_hbm.at[pl.ds(base + i * CHUNK, CHUNK)], idx_v)
        pltpu.sync_copy(ones_v, cnt_sh.at[idx_v], add=True)
        return carry

    lax.fori_loop(0, N_CHUNKS, chunk, 0)
    plsc.subcore_barrier()
    pltpu.sync_copy(cnt_sh.at[pl.ds(row0, ROWS_PER_TILE)],
                    out_hbm.at[c, pl.ds(row0, ROWS_PER_TILE)])


def _sc_aggregate_body(src_hbm, dst_hbm, y_hbm, out_hbm,
                       isrc_v, idst_v, rows_v, agg_sh, sem):
    c = lax.axis_index("c")
    s = lax.axis_index("s")
    w = c * NS + s
    row0 = s * ROWS_PER_TILE
    pltpu.sync_copy(y_hbm.at[pl.ds(row0, ROWS_PER_TILE)],
                    agg_sh.at[pl.ds(row0, ROWS_PER_TILE)])
    plsc.subcore_barrier()
    base = w * EDGES_PER_TILE

    def chunk(i, carry):
        pltpu.sync_copy(src_hbm.at[pl.ds(base + i * CHUNK, CHUNK)], isrc_v)
        pltpu.sync_copy(dst_hbm.at[pl.ds(base + i * CHUNK, CHUNK)], idst_v)
        pltpu.async_copy(y_hbm.at[isrc_v], rows_v, sem).wait()
        pltpu.sync_copy(rows_v, agg_sh.at[idst_v], add=True)
        return carry

    lax.fori_loop(0, N_CHUNKS, chunk, 0)
    plsc.subcore_barrier()
    pltpu.sync_copy(agg_sh.at[pl.ds(row0, ROWS_PER_TILE)],
                    out_hbm.at[c, pl.ds(row0, ROWS_PER_TILE)])


@functools.lru_cache(maxsize=None)
def _sc_kernels():
    mesh = plsc.VectorSubcoreMesh(
        core_axis_name="c", subcore_axis_name="s",
        num_cores=NC, num_subcores=NS)
    params = pltpu.CompilerParams(use_tc_tiling_on_sc=False)
    degree = pl.kernel(
        _sc_degree_body,
        out_type=jax.ShapeDtypeStruct((NC, N_PAD, 16), jnp.float32),
        mesh=mesh,
        compiler_params=params,
        scratch_types=[
            pltpu.VMEM((CHUNK,), jnp.int32),
            pltpu.VMEM((CHUNK, 16), jnp.float32),
            pltpu.VMEM_SHARED((N_PAD, 16), jnp.float32),
        ],
    )
    aggregate = pl.kernel(
        _sc_aggregate_body,
        out_type=jax.ShapeDtypeStruct((NC, N_PAD, DIM_H), jnp.float32),
        mesh=mesh,
        compiler_params=params,
        scratch_types=[
            pltpu.VMEM((CHUNK,), jnp.int32),
            pltpu.VMEM((CHUNK,), jnp.int32),
            pltpu.VMEM((CHUNK, DIM_H), jnp.float32),
            pltpu.VMEM_SHARED((N_PAD, DIM_H), jnp.float32),
            pltpu.SemaphoreType.DMA,
        ],
    )
    return degree, aggregate


def _xw_y_kernel(x_ref, w_ref, cnt_ref, y_ref, dinv_ref):
    xw = jnp.dot(x_ref[...], w_ref[...], preferred_element_type=jnp.float32)
    deg = 1.0 + cnt_ref[0, :, 0:1] + cnt_ref[1, :, 0:1]
    dinv = lax.rsqrt(deg)
    y_ref[...] = xw * dinv
    dinv_ref[...] = dinv


def _compute_y(x, w_gcn, cnt):
    nb = N_NODES // ROW_BLK
    return pl.pallas_call(
        _xw_y_kernel,
        grid=(nb,),
        in_specs=[
            pl.BlockSpec((ROW_BLK, DIM_IN), lambda i: (i, 0)),
            pl.BlockSpec((DIM_IN, DIM_H), lambda i: (0, 0)),
            pl.BlockSpec((2, ROW_BLK, 16), lambda i: (0, i, 0)),
        ],
        out_specs=[
            pl.BlockSpec((ROW_BLK, DIM_H), lambda i: (i, 0)),
            pl.BlockSpec((ROW_BLK, 1), lambda i: (i, 0)),
        ],
        out_shape=[
            jax.ShapeDtypeStruct((N_PAD, DIM_H), jnp.float32),
            jax.ShapeDtypeStruct((N_NODES, 1), jnp.float32),
        ],
    )(x, w_gcn, cnt)


def _sigmoid(x):
    return 0.5 * jnp.tanh(0.5 * x) + 0.5


def _lstm_kernel(agg_ref, y_ref, dinv_ref, bg_ref,
                 wii_ref, wif_ref, wig_ref, wio_ref,
                 bi_ref, bf_ref, bgg_ref, bo_ref,
                 whi_ref, whf_ref, whg_ref, who_ref,
                 out_ref,
                 gi_s, gf_s, gg_s, go_s, h_s, c_s):
    step = pl.program_id(0)

    @pl.when(step == 0)
    def _():
        h_s[...] = jnp.zeros_like(h_s)
        c_s[...] = jnp.zeros_like(c_s)

    agg = agg_ref[0] + agg_ref[1] - y_ref[...]
    hg = jnp.maximum(dinv_ref[...] * agg + bg_ref[...], 0.0)
    gi_s[...] = jnp.dot(hg, wii_ref[...], preferred_element_type=jnp.float32) + bi_ref[...]
    gf_s[...] = jnp.dot(hg, wif_ref[...], preferred_element_type=jnp.float32) + bf_ref[...]
    gg_s[...] = jnp.dot(hg, wig_ref[...], preferred_element_type=jnp.float32) + bgg_ref[...]
    go_s[...] = jnp.dot(hg, wio_ref[...], preferred_element_type=jnp.float32) + bo_ref[...]

    whi = whi_ref[...]
    whf = whf_ref[...]
    whg = whg_ref[...]
    who = who_ref[...]

    def body(r, carry):
        h, c = carry
        ig = _sigmoid(gi_s[pl.ds(r, 1), :]
                      + jnp.dot(h, whi, preferred_element_type=jnp.float32))
        fg = _sigmoid(gf_s[pl.ds(r, 1), :]
                      + jnp.dot(h, whf, preferred_element_type=jnp.float32))
        gg = jnp.tanh(gg_s[pl.ds(r, 1), :]
                      + jnp.dot(h, whg, preferred_element_type=jnp.float32))
        og = _sigmoid(go_s[pl.ds(r, 1), :]
                      + jnp.dot(h, who, preferred_element_type=jnp.float32))
        c_new = fg * c + ig * gg
        h_new = og * jnp.tanh(c_new)
        out_ref[pl.ds(r, 1), :] = h_new
        return h_new, c_new

    h_fin, c_fin = lax.fori_loop(0, ROW_BLK, body, (h_s[...], c_s[...]))
    h_s[...] = h_fin
    c_s[...] = c_fin


def _lstm_stage(agg, y, dinv, b_gcn, wih_t, whh_t, bias):
    nb = N_NODES // ROW_BLK
    wih = [wih_t[:, k * DIM_H:(k + 1) * DIM_H] for k in range(4)]
    whh = [whh_t[:, k * DIM_H:(k + 1) * DIM_H] for k in range(4)]
    bs = [bias[None, k * DIM_H:(k + 1) * DIM_H] for k in range(4)]
    full = lambda i: (0, 0)
    blk = lambda i: (i, 0)
    return pl.pallas_call(
        _lstm_kernel,
        grid=(nb,),
        in_specs=[
            pl.BlockSpec((2, ROW_BLK, DIM_H), lambda i: (0, i, 0)),
            pl.BlockSpec((ROW_BLK, DIM_H), blk),
            pl.BlockSpec((ROW_BLK, 1), blk),
            pl.BlockSpec((1, DIM_H), full),
            *[pl.BlockSpec((DIM_H, DIM_H), full) for _ in range(4)],
            *[pl.BlockSpec((1, DIM_H), full) for _ in range(4)],
            *[pl.BlockSpec((DIM_H, DIM_H), full) for _ in range(4)],
        ],
        out_specs=pl.BlockSpec((ROW_BLK, DIM_H), blk),
        out_shape=jax.ShapeDtypeStruct((N_NODES, DIM_H), jnp.float32),
        scratch_shapes=[
            pltpu.VMEM((ROW_BLK, DIM_H), jnp.float32) for _ in range(4)
        ] + [
            pltpu.VMEM((1, DIM_H), jnp.float32),
            pltpu.VMEM((1, DIM_H), jnp.float32),
        ],
    )(agg, y, dinv, b_gcn[None, :], *wih, *bs, *whh)


def kernel(x, edge_index, W_gcn, b_gcn, W_ih, W_hh, b_ih, b_hh):
    src = edge_index[0]
    dst = edge_index[1]
    zeros16 = jnp.zeros((N_PAD, 16), jnp.float32)
    ones16 = jnp.ones((CHUNK, 16), jnp.float32)
    sc_degree, sc_aggregate = _sc_kernels()
    cnt = sc_degree(dst, zeros16, ones16)
    y, dinv = _compute_y(x, W_gcn, cnt)
    agg = sc_aggregate(src, dst, y)
    bias = b_ih + b_hh
    return _lstm_stage(agg, y, dinv, b_gcn, W_ih.T, W_hh.T, bias)

# --- scband reference (transcript-rebuilt; emitter-appended) ---
"""Pipeline reference for scband-wd-gcn-7327214207510 (READ-ONLY COPY).

The authoritative reference and input builder live on the scoring server;
editing this copy changes nothing except your own understanding.
"""

import jax, jax.numpy as jnp
import numpy as np

N = 10000
E = 320000
D = 128
H = 64


def setup_inputs(seed: int = 0) -> dict:
    key = jax.random.key(seed)
    ks = jax.random.split(key, 8)
    x = jax.random.normal(ks[0], (N, D), dtype=jnp.float32)
    edge_index = jax.random.randint(ks[1], (2, E), 0, N)
    s1 = 1.0 / np.sqrt(D)
    W_gcn = jax.random.uniform(ks[2], (D, H), minval=-s1, maxval=s1, dtype=jnp.float32)
    b_gcn = jnp.zeros((H,), dtype=jnp.float32)
    s2 = 1.0 / np.sqrt(H)
    W_ih = jax.random.uniform(ks[3], (4 * H, H), minval=-s2, maxval=s2, dtype=jnp.float32)
    W_hh = jax.random.uniform(ks[4], (4 * H, H), minval=-s2, maxval=s2, dtype=jnp.float32)
    b_ih = jax.random.uniform(ks[5], (4 * H,), minval=-s2, maxval=s2, dtype=jnp.float32)
    b_hh = jax.random.uniform(ks[6], (4 * H,), minval=-s2, maxval=s2, dtype=jnp.float32)
    return {"x": x, "edge_index": edge_index, "W_gcn": W_gcn, "b_gcn": b_gcn,
            "W_ih": W_ih, "W_hh": W_hh, "b_ih": b_ih, "b_hh": b_hh}


def _gcn_conv(x, edge_index, W, b):
    # PyG GCNConv: x' = D^{-1/2} (A + I) D^{-1/2} (x W) + b
    n = x.shape[0]
    loops = jnp.arange(n, dtype=edge_index.dtype)
    src = jnp.concatenate([edge_index[0], loops])
    dst = jnp.concatenate([edge_index[1], loops])
    deg = jax.ops.segment_sum(jnp.ones_like(src, dtype=x.dtype), dst, num_segments=n)
    dinv = jnp.where(deg > 0, jax.lax.rsqrt(jnp.maximum(deg, 1e-12)), 0.0)
    norm = dinv[src] * dinv[dst]
    xw = x @ W
    msg = norm[:, None] * jnp.take(xw, src, axis=0)
    out = jax.ops.segment_sum(msg, dst, num_segments=n)
    return out + b


def _lstm_unbatched(seq, W_ih, W_hh, b_ih, b_hh):
    # torch.nn.LSTM, unbatched input (seq_len, input_size); gate order i, f, g, o
    Hh = W_hh.shape[1]

    def step(carry, xt):
        h, c = carry
        gates = xt @ W_ih.T + b_ih + h @ W_hh.T + b_hh
        i, f, g, o = jnp.split(gates, 4)
        i = jax.nn.sigmoid(i)
        f = jax.nn.sigmoid(f)
        g = jnp.tanh(g)
        o = jax.nn.sigmoid(o)
        c_new = f * c + i * g
        h_new = o * jnp.tanh(c_new)
        return (h_new, c_new), h_new

    h0 = jnp.zeros((Hh,), dtype=seq.dtype)
    c0 = jnp.zeros((Hh,), dtype=seq.dtype)
    (_, _), ys = jax.lax.scan(step, (h0, c0), seq)
    return ys


def reference(x, edge_index, W_gcn, b_gcn, W_ih, W_hh, b_ih, b_hh):
    # data_list has a single graph -> stack + squeeze(0) leaves [N, H]
    h = _gcn_conv(x, edge_index, W_gcn, b_gcn)
    h = jax.nn.relu(h)
    # dropout is identity at inference
    lstm_out = _lstm_unbatched(h, W_ih, W_hh, b_ih, b_hh)
    return lstm_out

if __name__ == "__main__":
    import jax
    _d = setup_inputs()
    print(jax.jit(kernel)(*tuple(_d.values())))

</pallas_src>

<mosaic_0001>
#map = affine_map<(d0, d1) -> (0)>
#map1 = affine_map<(d0, d1) -> (0, 0)>
#map2 = affine_map<(d0, d1) -> (0, 0, 0)>
module attributes {stable_mosaic.version = 14 : i64} {
  func.func @_sc_degree_body(%arg0: i32, %arg1: i32, %arg2: memref<320000xi32, #tpu.memory_space<hbm>>, %arg3: memref<10240x16xf32, #tpu.memory_space<hbm>>, %arg4: memref<80x16xf32, #tpu.memory_space<hbm>>, %arg5: memref<2x10240x16xf32, #tpu.memory_space<hbm>>, %arg6: memref<80xi32, #tpu.memory_space<vmem>>, %arg7: memref<80x16xf32, #tpu.memory_space<vmem>>, %arg8: memref<10240x16xf32, #tpu.memory_space<vmem_shared>>) attributes {dimension_semantics = [#tpu.dimension_semantics<core_parallel>, #tpu.dimension_semantics<subcore_parallel>], iteration_bounds = array<i64: 2, 16>, scalar_prefetch = 0 : i64, scratch_operands = 3 : i64, tpu.core_type = #tpu.core_type<sc_vector_subcore>, window_params = [{transform_indices = #map}, {transform_indices = #map1}, {transform_indices = #map1}, {transform_indices = #map2}]} {
    %mul3A = arith.constant 16 : i32
    %mul3A_0 = arith.muli %arg0, %mul3A : i32
    %add3A = arith.addi %mul3A_0, %arg1 : i32
    %mul3A_1 = arith.constant 640 : i32
    %mul3A_2 = arith.muli %arg1, %mul3A_1 : i32
    "tpu.region"() ({
      %run_scoped3A = tpu.sem_alloc : memref<!tpu.dma_semaphore, #tpu.memory_space<semaphore_mem>>
      %dma_start3A = arith.constant 0 : i32
      %dma_start3A_11 = tpu.memref_slice %arg8[%mul3A_2, %dma_start3A] : memref<10240x16xf32, #tpu.memory_space<vmem_shared>> -> memref<640x16xf32, #tpu.memory_space<vmem_shared>>
      %dma_start3A_12 = arith.constant 0 : i32
      %dma_start3A_13 = tpu.memref_slice %arg3[%mul3A_2, %dma_start3A_12] : memref<10240x16xf32, #tpu.memory_space<hbm>> -> memref<640x16xf32, #tpu.memory_space<hbm>>
      tpu.enqueue_dma source(%dma_start3A_13 : memref<640x16xf32, #tpu.memory_space<hbm>>) target(%dma_start3A_11 : memref<640x16xf32, #tpu.memory_space<vmem_shared>>) target_semaphore(%run_scoped3A : memref<!tpu.dma_semaphore, #tpu.memory_space<semaphore_mem>>)
      %dma_wait3A = arith.constant 0 : i32
      %dma_wait3A_14 = tpu.memref_slice %arg8[%mul3A_2, %dma_wait3A] : memref<10240x16xf32, #tpu.memory_space<vmem_shared>> -> memref<640x16xf32, #tpu.memory_space<vmem_shared>>
      %dma_wait3A_15 = arith.constant 0 : i32
      %dma_wait3A_16 = tpu.memref_slice %arg3[%mul3A_2, %dma_wait3A_15] : memref<10240x16xf32, #tpu.memory_space<hbm>> -> memref<640x16xf32, #tpu.memory_space<hbm>>
      tpu.wait_dma2 semaphore(%run_scoped3A : memref<!tpu.dma_semaphore, #tpu.memory_space<semaphore_mem>>) src(%dma_wait3A_16 : memref<640x16xf32, #tpu.memory_space<hbm>>) dst(%dma_wait3A_14 : memref<640x16xf32, #tpu.memory_space<vmem_shared>>)
      tpu.yield
    }) : () -> ()
    "tpu.region"() ({
      %run_scoped3A = tpu.sem_alloc : memref<!tpu.dma_semaphore, #tpu.memory_space<semaphore_mem>>
      tpu.enqueue_dma source(%arg4 : memref<80x16xf32, #tpu.memory_space<hbm>>) target(%arg7 : memref<80x16xf32, #tpu.memory_space<vmem>>) target_semaphore(%run_scoped3A : memref<!tpu.dma_semaphore, #tpu.memory_space<semaphore_mem>>)
      tpu.wait_dma2 semaphore(%run_scoped3A : memref<!tpu.dma_semaphore, #tpu.memory_space<semaphore_mem>>) src(%arg4 : memref<80x16xf32, #tpu.memory_space<hbm>>) dst(%arg7 : memref<80x16xf32, #tpu.memory_space<vmem>>)
      tpu.yield
    }) : () -> ()
    %barrier3A = arith.constant 0 : index
    tpu.barrier barrier_id(%barrier3A)
    %mul3A_3 = arith.constant 10000 : i32
    %mul3A_4 = arith.muli %add3A, %mul3A_3 : i32
    %scan3A = arith.constant 0 : i32
    %scan3A_5 = arith.constant 0 : i32
    %scan3A_6 = arith.constant 125 : i32
    %scan3A_7 = arith.addi %scan3A_5, %scan3A_6 : i32
    %scan3A_8 = arith.constant 1 : i32
    scf.for %scan3A_11 = %scan3A_5 to %scan3A_7 step %scan3A_8  : i32 {
      %mul3A_12 = arith.constant 80 : i32
      %mul3A_13 = arith.muli %scan3A_11, %mul3A_12 : i32
      %add3A_14 = arith.addi %mul3A_4, %mul3A_13 : i32
      "tpu.region"() ({
        %run_scoped3A = tpu.sem_alloc : memref<!tpu.dma_semaphore, #tpu.memory_space<semaphore_mem>>
        %dma_start3A = tpu.memref_slice %arg2[%add3A_14] : memref<320000xi32, #tpu.memory_space<hbm>> -> memref<80xi32, #tpu.memory_space<hbm>>
        %dma_start3A_15 = tpu.memref_slice %arg2[%add3A_14] : memref<320000xi32, #tpu.memory_space<hbm>> -> memref<80xi32, #tpu.memory_space<hbm>>
        tpu.enqueue_dma source(%dma_start3A_15 : memref<80xi32, #tpu.memory_space<hbm>>) target(%arg6 : memref<80xi32, #tpu.memory_space<vmem>>) target_semaphore(%run_scoped3A : memref<!tpu.dma_semaphore, #tpu.memory_space<semaphore_mem>>)
        %dma_wait3A = tpu.memref_slice %arg2[%add3A_14] : memref<320000xi32, #tpu.memory_space<hbm>> -> memref<80xi32, #tpu.memory_space<hbm>>
        %dma_wait3A_16 = tpu.memref_slice %arg2[%add3A_14] : memref<320000xi32, #tpu.memory_space<hbm>> -> memref<80xi32, #tpu.memory_space<hbm>>
        tpu.wait_dma2 semaphore(%run_scoped3A : memref<!tpu.dma_semaphore, #tpu.memory_space<semaphore_mem>>) src(%dma_wait3A_16 : memref<80xi32, #tpu.memory_space<hbm>>) dst(%arg6 : memref<80xi32, #tpu.memory_space<vmem>>)
        tpu.yield
      }) : () -> ()
      "tpu.region"() ({
        %run_scoped3A = tpu.sem_alloc : memref<!tpu.dma_semaphore, #tpu.memory_space<semaphore_mem>>
        %dma_start3A = arith.constant 0 : i32
        %dma_start3A_15 = arith.constant 0 : i32
        %dma_start3A_16 = tpu.memref_slice %arg8[%dma_start3A, %dma_start3A_15] : memref<10240x16xf32, #tpu.memory_space<vmem_shared>> -> memref<10240x16xf32, #tpu.memory_space<vmem_shared>>
        tpu.enqueue_indirect_dma source(%arg7 : memref<80x16xf32, #tpu.memory_space<vmem>>) target(%dma_start3A_16 : memref<10240x16xf32, #tpu.memory_space<vmem_shared>>) offsets(%arg6 : memref<80xi32, #tpu.memory_space<vmem>>) semaphore(%run_scoped3A : memref<!tpu.dma_semaphore, #tpu.memory_space<semaphore_mem>>) {add = true}
        %dma_wait3A = arith.constant 0 : i32
        %dma_wait3A_17 = arith.constant 0 : i32
        %dma_wait3A_18 = tpu.memref_slice %arg8[%dma_wait3A, %dma_wait3A_17] : memref<10240x16xf32, #tpu.memory_space<vmem_shared>> -> memref<10240x16xf32, #tpu.memory_space<vmem_shared>>
        tpu.wait_indirect_dma semaphore(%run_scoped3A : memref<!tpu.dma_semaphore, #tpu.memory_space<semaphore_mem>>) src(%arg7 : memref<80x16xf32, #tpu.memory_space<vmem>>) dst(%dma_wait3A_18 : memref<10240x16xf32, #tpu.memory_space<vmem_shared>>)
        tpu.yield
      }) : () -> ()
    }
    %scan3A_9 = arith.constant 125 : i32
    %barrier3A_10 = arith.constant 0 : index
    tpu.barrier barrier_id(%barrier3A_10)
    "tpu.region"() ({
      %run_scoped3A = tpu.sem_alloc : memref<!tpu.dma_semaphore, #tpu.memory_space<semaphore_mem>>
      %dma_start3A = arith.constant 0 : i32
      %dma_start3A_11 = tpu.memref_slice %arg5[%arg0, %mul3A_2, %dma_start3A] : memref<2x10240x16xf32, #tpu.memory_space<hbm>> -> memref<1x640x16xf32, #tpu.memory_space<hbm>>
      %dma_start3A_12 = tpu.memref_squeeze %dma_start3A_11 : memref<1x640x16xf32, #tpu.memory_space<hbm>> -> memref<640x16xf32, #tpu.memory_space<hbm>>
      %dma_start3A_13 = arith.constant 0 : i32
      %dma_start3A_14 = tpu.memref_slice %arg8[%mul3A_2, %dma_start3A_13] : memref<10240x16xf32, #tpu.memory_space<vmem_shared>> -> memref<640x16xf32, #tpu.memory_space<vmem_shared>>
      tpu.enqueue_dma source(%dma_start3A_14 : memref<640x16xf32, #tpu.memory_space<vmem_shared>>) target(%dma_start3A_12 : memref<640x16xf32, #tpu.memory_space<hbm>>) target_semaphore(%run_scoped3A : memref<!tpu.dma_semaphore, #tpu.memory_space<semaphore_mem>>)
      %dma_wait3A = arith.constant 0 : i32
      %dma_wait3A_15 = tpu.memref_slice %arg5[%arg0, %mul3A_2, %dma_wait3A] : memref<2x10240x16xf32, #tpu.memory_space<hbm>> -> memref<1x640x16xf32, #tpu.memory_space<hbm>>
      %dma_wait3A_16 = tpu.memref_squeeze %dma_wait3A_15 : memref<1x640x16xf32, #tpu.memory_space<hbm>> -> memref<640x16xf32, #tpu.memory_space<hbm>>
      %dma_wait3A_17 = arith.constant 0 : i32
      %dma_wait3A_18 = tpu.memref_slice %arg8[%mul3A_2, %dma_wait3A_17] : memref<10240x16xf32, #tpu.memory_space<vmem_shared>> -> memref<640x16xf32, #tpu.memory_space<vmem_shared>>
      tpu.wait_dma2 semaphore(%run_scoped3A : memref<!tpu.dma_semaphore, #tpu.memory_space<semaphore_mem>>) src(%dma_wait3A_18 : memref<640x16xf32, #tpu.memory_space<vmem_shared>>) dst(%dma_wait3A_16 : memref<640x16xf32, #tpu.memory_space<hbm>>)
      tpu.yield
    }) : () -> ()
    return
  }
}

#map = affine_map<(d0, d1) -> (0)>
#map1 = affine_map<(d0, d1) -> (0, 0)>
#map2 = affine_map<(d0, d1) -> (0, 0, 0)>
module attributes {stable_mosaic.version = 14 : i64} {
  func.func @_sc_aggregate_body(%arg0: i32, %arg1: i32, %arg2: memref<320000xi32, #tpu.memory_space<hbm>>, %arg3: memref<320000xi32, #tpu.memory_space<hbm>>, %arg4: memref<10240x64xf32, #tpu.memory_space<hbm>>, %arg5: memref<2x10240x64xf32, #tpu.memory_space<hbm>>, %arg6: memref<80xi32, #tpu.memory_space<vmem>>, %arg7: memref<80xi32, #tpu.memory_space<vmem>>, %arg8: memref<80x64xf32, #tpu.memory_space<vmem>>, %arg9: memref<10240x64xf32, #tpu.memory_space<vmem_shared>>, %arg10: memref<!tpu.dma_semaphore, #tpu.memory_space<semaphore_mem>>) attributes {dimension_semantics = [#tpu.dimension_semantics<core_parallel>, #tpu.dimension_semantics<subcore_parallel>], iteration_bounds = array<i64: 2, 16>, scalar_prefetch = 0 : i64, scratch_operands = 5 : i64, tpu.core_type = #tpu.core_type<sc_vector_subcore>, window_params = [{transform_indices = #map}, {transform_indices = #map}, {transform_indices = #map1}, {transform_indices = #map2}]} {
    %mul3A = arith.constant 16 : i32
    %mul3A_0 = arith.muli %arg0, %mul3A : i32
    %add3A = arith.addi %mul3A_0, %arg1 : i32
    %mul3A_1 = arith.constant 640 : i32
    %mul3A_2 = arith.muli %arg1, %mul3A_1 : i32
    "tpu.region"() ({
      %run_scoped3A = tpu.sem_alloc : memref<!tpu.dma_semaphore, #tpu.memory_space<semaphore_mem>>
      %dma_start3A = arith.constant 0 : i32
      %dma_start3A_11 = tpu.memref_slice %arg9[%mul3A_2, %dma_start3A] : memref<10240x64xf32, #tpu.memory_space<vmem_shared>> -> memref<640x64xf32, #tpu.memory_space<vmem_shared>>
      %dma_start3A_12 = arith.constant 0 : i32
      %dma_start3A_13 = tpu.memref_slice %arg4[%mul3A_2, %dma_start3A_12] : memref<10240x64xf32, #tpu.memory_space<hbm>> -> memref<640x64xf32, #tpu.memory_space<hbm>>
      tpu.enqueue_dma source(%dma_start3A_13 : memref<640x64xf32, #tpu.memory_space<hbm>>) target(%dma_start3A_11 : memref<640x64xf32, #tpu.memory_space<vmem_shared>>) target_semaphore(%run_scoped3A : memref<!tpu.dma_semaphore, #tpu.memory_space<semaphore_mem>>)
      %dma_wait3A = arith.constant 0 : i32
      %dma_wait3A_14 = tpu.memref_slice %arg9[%mul3A_2, %dma_wait3A] : memref<10240x64xf32, #tpu.memory_space<vmem_shared>> -> memref<640x64xf32, #tpu.memory_space<vmem_shared>>
      %dma_wait3A_15 = arith.constant 0 : i32
      %dma_wait3A_16 = tpu.memref_slice %arg4[%mul3A_2, %dma_wait3A_15] : memref<10240x64xf32, #tpu.memory_space<hbm>> -> memref<640x64xf32, #tpu.memory_space<hbm>>
      tpu.wait_dma2 semaphore(%run_scoped3A : memref<!tpu.dma_semaphore, #tpu.memory_space<semaphore_mem>>) src(%dma_wait3A_16 : memref<640x64xf32, #tpu.memory_space<hbm>>) dst(%dma_wait3A_14 : memref<640x64xf32, #tpu.memory_space<vmem_shared>>)
      tpu.yield
    }) : () -> ()
    %barrier3A = arith.constant 0 : index
    tpu.barrier barrier_id(%barrier3A)
    %mul3A_3 = arith.constant 10000 : i32
    %mul3A_4 = arith.muli %add3A, %mul3A_3 : i32
    %scan3A = arith.constant 0 : i32
    %scan3A_5 = arith.constant 0 : i32
    %scan3A_6 = arith.constant 125 : i32
    %scan3A_7 = arith.addi %scan3A_5, %scan3A_6 : i32
    %scan3A_8 = arith.constant 1 : i32
    scf.for %scan3A_11 = %scan3A_5 to %scan3A_7 step %scan3A_8  : i32 {
      %mul3A_12 = arith.constant 80 : i32
      %mul3A_13 = arith.muli %scan3A_11, %mul3A_12 : i32
      %add3A_14 = arith.addi %mul3A_4, %mul3A_13 : i32
      "tpu.region"() ({
        %run_scoped3A = tpu.sem_alloc : memref<!tpu.dma_semaphore, #tpu.memory_space<semaphore_mem>>
        %dma_start3A_22 = tpu.memref_slice %arg2[%add3A_14] : memref<320000xi32, #tpu.memory_space<hbm>> -> memref<80xi32, #tpu.memory_space<hbm>>
        %dma_start3A_23 = tpu.memref_slice %arg2[%add3A_14] : memref<320000xi32, #tpu.memory_space<hbm>> -> memref<80xi32, #tpu.memory_space<hbm>>
        tpu.enqueue_dma source(%dma_start3A_23 : memref<80xi32, #tpu.memory_space<hbm>>) target(%arg6 : memref<80xi32, #tpu.memory_space<vmem>>) target_semaphore(%run_scoped3A : memref<!tpu.dma_semaphore, #tpu.memory_space<semaphore_mem>>)
        %dma_wait3A_24 = tpu.memref_slice %arg2[%add3A_14] : memref<320000xi32, #tpu.memory_space<hbm>> -> memref<80xi32, #tpu.memory_space<hbm>>
        %dma_wait3A_25 = tpu.memref_slice %arg2[%add3A_14] : memref<320000xi32, #tpu.memory_space<hbm>> -> memref<80xi32, #tpu.memory_space<hbm>>
        tpu.wait_dma2 semaphore(%run_scoped3A : memref<!tpu.dma_semaphore, #tpu.memory_space<semaphore_mem>>) src(%dma_wait3A_25 : memref<80xi32, #tpu.memory_space<hbm>>) dst(%arg6 : memref<80xi32, #tpu.memory_space<vmem>>)
        tpu.yield
      }) : () -> ()
      %mul3A_15 = arith.constant 80 : i32
      %mul3A_16 = arith.muli %scan3A_11, %mul3A_15 : i32
      %add3A_17 = arith.addi %mul3A_4, %mul3A_16 : i32
      "tpu.region"() ({
        %run_scoped3A = tpu.sem_alloc : memref<!tpu.dma_semaphore, #tpu.memory_space<semaphore_mem>>
        %dma_start3A_22 = tpu.memref_slice %arg3[%add3A_17] : memref<320000xi32, #tpu.memory_space<hbm>> -> memref<80xi32, #tpu.memory_space<hbm>>
        %dma_start3A_23 = tpu.memref_slice %arg3[%add3A_17] : memref<320000xi32, #tpu.memory_space<hbm>> -> memref<80xi32, #tpu.memory_space<hbm>>
        tpu.enqueue_dma source(%dma_start3A_23 : memref<80xi32, #tpu.memory_space<hbm>>) target(%arg7 : memref<80xi32, #tpu.memory_space<vmem>>) target_semaphore(%run_scoped3A : memref<!tpu.dma_semaphore, #tpu.memory_space<semaphore_mem>>)
        %dma_wait3A_24 = tpu.memref_slice %arg3[%add3A_17] : memref<320000xi32, #tpu.memory_space<hbm>> -> memref<80xi32, #tpu.memory_space<hbm>>
        %dma_wait3A_25 = tpu.memref_slice %arg3[%add3A_17] : memref<320000xi32, #tpu.memory_space<hbm>> -> memref<80xi32, #tpu.memory_space<hbm>>
        tpu.wait_dma2 semaphore(%run_scoped3A : memref<!tpu.dma_semaphore, #tpu.memory_space<semaphore_mem>>) src(%dma_wait3A_25 : memref<80xi32, #tpu.memory_space<hbm>>) dst(%arg7 : memref<80xi32, #tpu.memory_space<vmem>>)
        tpu.yield
      }) : () -> ()
      %dma_start3A = arith.constant 0 : i32
      %dma_start3A_18 = arith.constant 0 : i32
      %dma_start3A_19 = tpu.memref_slice %arg4[%dma_start3A, %dma_start3A_18] : memref<10240x64xf32, #tpu.memory_space<hbm>> -> memref<10240x64xf32, #tpu.memory_space<hbm>>
      tpu.enqueue_indirect_dma source(%dma_start3A_19 : memref<10240x64xf32, #tpu.memory_space<hbm>>) target(%arg8 : memref<80x64xf32, #tpu.memory_space<vmem>>) offsets(%arg6 : memref<80xi32, #tpu.memory_space<vmem>>) semaphore(%arg10 : memref<!tpu.dma_semaphore, #tpu.memory_space<semaphore_mem>>)
      %dma_wait3A = arith.constant 0 : i32
      %dma_wait3A_20 = arith.constant 0 : i32
      %dma_wait3A_21 = tpu.memref_slice %arg4[%dma_wait3A, %dma_wait3A_20] : memref<10240x64xf32, #tpu.memory_space<hbm>> -> memref<10240x64xf32, #tpu.memory_space<hbm>>
      tpu.wait_indirect_dma semaphore(%arg10 : memref<!tpu.dma_semaphore, #tpu.memory_space<semaphore_mem>>) src(%dma_wait3A_21 : memref<10240x64xf32, #tpu.memory_space<hbm>>) dst(%arg8 : memref<80x64xf32, #tpu.memory_space<vmem>>)
      "tpu.region"() ({
        %run_scoped3A = tpu.sem_alloc : memref<!tpu.dma_semaphore, #tpu.memory_space<semaphore_mem>>
        %dma_start3A_22 = arith.constant 0 : i32
        %dma_start3A_23 = arith.constant 0 : i32
        %dma_start3A_24 = tpu.memref_slice %arg9[%dma_start3A_22, %dma_start3A_23] : memref<10240x64xf32, #tpu.memory_space<vmem_shared>> -> memref<10240x64xf32, #tpu.memory_space<vmem_shared>>
        tpu.enqueue_indirect_dma source(%arg8 : memref<80x64xf32, #tpu.memory_space<vmem>>) target(%dma_start3A_24 : memref<10240x64xf32, #tpu.memory_space<vmem_shared>>) offsets(%arg7 : memref<80xi32, #tpu.memory_space<vmem>>) semaphore(%run_scoped3A : memref<!tpu.dma_semaphore, #tpu.memory_space<semaphore_mem>>) {add = true}
        %dma_wait3A_25 = arith.constant 0 : i32
        %dma_wait3A_26 = arith.constant 0 : i32
        %dma_wait3A_27 = tpu.memref_slice %arg9[%dma_wait3A_25, %dma_wait3A_26] : memref<10240x64xf32, #tpu.memory_space<vmem_shared>> -> memref<10240x64xf32, #tpu.memory_space<vmem_shared>>
        tpu.wait_indirect_dma semaphore(%run_scoped3A : memref<!tpu.dma_semaphore, #tpu.memory_space<semaphore_mem>>) src(%arg8 : memref<80x64xf32, #tpu.memory_space<vmem>>) dst(%dma_wait3A_27 : memref<10240x64xf32, #tpu.memory_space<vmem_shared>>)
        tpu.yield
      }) : () -> ()
    }
    %scan3A_9 = arith.constant 125 : i32
    %barrier3A_10 = arith.constant 0 : index
    tpu.barrier barrier_id(%barrier3A_10)
    "tpu.region"() ({
      %run_scoped3A = tpu.sem_alloc : memref<!tpu.dma_semaphore, #tpu.memory_space<semaphore_mem>>
      %dma_start3A = arith.constant 0 : i32
      %dma_start3A_11 = tpu.memref_slice %arg5[%arg0, %mul3A_2, %dma_start3A] : memref<2x10240x64xf32, #tpu.memory_space<hbm>> -> memref<1x640x64xf32, #tpu.memory_space<hbm>>
      %dma_start3A_12 = tpu.memref_squeeze %dma_start3A_11 : memref<1x640x64xf32, #tpu.memory_space<hbm>> -> memref<640x64xf32, #tpu.memory_space<hbm>>
      %dma_start3A_13 = arith.constant 0 : i32
      %dma_start3A_14 = tpu.memref_slice %arg9[%mul3A_2, %dma_start3A_13] : memref<10240x64xf32, #tpu.memory_space<vmem_shared>> -> memref<640x64xf32, #tpu.memory_space<vmem_shared>>
      tpu.enqueue_dma source(%dma_start3A_14 : memref<640x64xf32, #tpu.memory_space<vmem_shared>>) target(%dma_start3A_12 : memref<640x64xf32, #tpu.memory_space<hbm>>) target_semaphore(%run_scoped3A : memref<!tpu.dma_semaphore, #tpu.memory_space<semaphore_mem>>)
      %dma_wait3A = arith.constant 0 : i32
      %dma_wait3A_15 = tpu.memref_slice %arg5[%arg0, %mul3A_2, %dma_wait3A] : memref<2x10240x64xf32, #tpu.memory_space<hbm>> -> memref<1x640x64xf32, #tpu.memory_space<hbm>>
      %dma_wait3A_16 = tpu.memref_squeeze %dma_wait3A_15 : memref<1x640x64xf32, #tpu.memory_space<hbm>> -> memref<640x64xf32, #tpu.memory_space<hbm>>
      %dma_wait3A_17 = arith.constant 0 : i32
      %dma_wait3A_18 = tpu.memref_slice %arg9[%mul3A_2, %dma_wait3A_17] : memref<10240x64xf32, #tpu.memory_space<vmem_shared>> -> memref<640x64xf32, #tpu.memory_space<vmem_shared>>
      tpu.wait_dma2 semaphore(%run_scoped3A : memref<!tpu.dma_semaphore, #tpu.memory_space<semaphore_mem>>) src(%dma_wait3A_18 : memref<640x64xf32, #tpu.memory_space<vmem_shared>>) dst(%dma_wait3A_16 : memref<640x64xf32, #tpu.memory_space<hbm>>)
      tpu.yield
    }) : () -> ()
    return
  }
}

module attributes {stable_mosaic.version = 14 : i64} {
  func.func @_xw_y_kernel(%arg0: i32, %arg1: memref<400x128xf32, #tpu.memory_space<vmem>>, %arg2: memref<128x64xf32, #tpu.memory_space<vmem>>, %arg3: memref<2x400x16xf32, #tpu.memory_space<vmem>>, %arg4: memref<400x64xf32, #tpu.memory_space<vmem>>, %arg5: memref<400x1xf32, #tpu.memory_space<vmem>>) attributes {dimension_semantics = [#tpu.dimension_semantics<arbitrary>], iteration_bounds = array<i64: 25>, scalar_prefetch = 0 : i64, scratch_operands = 0 : i64, tpu.core_type = #tpu.core_type<tc>, window_params = [{transform_indices = @transform_0, window_bounds = array<i64: 400, 128>}, {pipeline_mode = #tpu.pipeline_mode<synchronous>, transform_indices = @transform_1, window_bounds = array<i64: 128, 64>}, {transform_indices = @transform_2, window_bounds = array<i64: 2, 400, 16>}, {transform_indices = @transform_3, window_bounds = array<i64: 400, 64>}, {transform_indices = @transform_4, window_bounds = array<i64: 400, 1>}]} {
    %get3A = arith.constant 0 : index
    %get3A_0 = arith.constant 0 : index
    %get3A_1 = vector.load %arg1[%get3A, %get3A_0] : memref<400x128xf32, #tpu.memory_space<vmem>>, vector<400x128xf32>
    %get3A_2 = arith.constant 0 : index
    %get3A_3 = arith.constant 0 : index
    %get3A_4 = vector.load %arg2[%get3A_2, %get3A_3] : memref<128x64xf32, #tpu.memory_space<vmem>>, vector<128x64xf32>
    %dot_general3A = arith.constant dense<0.000000e+00> : vector<400x64xf32>
    %dot_general3A_5 = tpu.matmul %get3A_1, %get3A_4, %dot_general3A {dimension_numbers = #tpu.dot_dimension_numbers<[1], [0], [0], [1], [0, 0, 1, 1], [], []>, transpose_lhs_hint = false} : vector<400x128xf32>, vector<128x64xf32>, vector<400x64xf32> -> vector<400x64xf32>
    %get3A_6 = arith.constant 0 : index
    %get3A_7 = arith.constant 0 : index
    %get3A_8 = arith.constant 0 : index
    %get3A_9 = vector.load %arg3[%get3A_6, %get3A_7, %get3A_8] : memref<2x400x16xf32, #tpu.memory_space<vmem>>, vector<1x400x1xf32>
    %get3A_10 = vector.shape_cast %get3A_9 : vector<1x400x1xf32> to vector<400x1xf32>
    %add3A = arith.constant 1.000000e+00 : f32
    %add3A_11 = vector.broadcast %add3A : f32 to vector<400x1xf32>
    %add3A_12 = arith.addf %add3A_11, %get3A_10 : vector<400x1xf32>
    %get3A_13 = arith.constant 1 : index
    %get3A_14 = arith.constant 0 : index
    %get3A_15 = arith.constant 0 : index
    %get3A_16 = vector.load %arg3[%get3A_13, %get3A_14, %get3A_15] : memref<2x400x16xf32, #tpu.memory_space<vmem>>, vector<1x400x1xf32>
    %get3A_17 = vector.shape_cast %get3A_16 : vector<1x400x1xf32> to vector<400x1xf32>
    %add3A_18 = arith.addf %add3A_12, %get3A_17 : vector<400x1xf32>
    %rsqrt3A = math.rsqrt %add3A_18 : vector<400x1xf32>
    %mul3A = vector.broadcast %rsqrt3A : vector<400x1xf32> to vector<400x64xf32>
    %mul3A_19 = arith.mulf %dot_general3A_5, %mul3A : vector<400x64xf32>
    %swap3A = arith.constant 0 : index
    %swap3A_20 = arith.constant 0 : index
    %swap3A_21 = vector.load %arg4[%swap3A, %swap3A_20] : memref<400x64xf32, #tpu.memory_space<vmem>>, vector<400x64xf32>
    tpu.vector_store %arg4[%swap3A, %swap3A_20], %mul3A_19 {strides = array<i32>} : memref<400x64xf32, #tpu.memory_space<vmem>>, vector<400x64xf32>,
    %swap3A_22 = arith.constant 0 : index
    %swap3A_23 = arith.constant 0 : index
    %swap3A_24 = vector.load %arg5[%swap3A_22, %swap3A_23] : memref<400x1xf32, #tpu.memory_space<vmem>>, vector<400x1xf32>
    tpu.vector_store %arg5[%swap3A_22, %swap3A_23], %rsqrt3A {strides = array<i32>} : memref<400x1xf32, #tpu.memory_space<vmem>>, vector<400x1xf32>,
    return
  }
  func.func @transform_0(%arg0: i32) -> (i32, i32) {
    %c0_i32 = arith.constant 0 : i32
    %c0_i32_0 = arith.constant 0 : i32
    return %arg0, %c0_i32 : i32, i32
  }
  func.func @transform_1(%arg0: i32) -> (i32, i32) {
    %c0_i32 = arith.constant 0 : i32
    %c0_i32_0 = arith.constant 0 : i32
    %c0_i32_1 = arith.constant 0 : i32
    return %c0_i32, %c0_i32_0 : i32, i32
  }
  func.func @transform_2(%arg0: i32) -> (i32, i32, i32) {
    %c0_i32 = arith.constant 0 : i32
    %c0_i32_0 = arith.constant 0 : i32
    %c0_i32_1 = arith.constant 0 : i32
    return %c0_i32, %arg0, %c0_i32_0 : i32, i32, i32
  }
  func.func @transform_3(%arg0: i32) -> (i32, i32) {
    %c0_i32 = arith.constant 0 : i32
    %c0_i32_0 = arith.constant 0 : i32
    return %arg0, %c0_i32 : i32, i32
  }
  func.func @transform_4(%arg0: i32) -> (i32, i32) {
    %c0_i32 = arith.constant 0 : i32
    %c0_i32_0 = arith.constant 0 : i32
    return %arg0, %c0_i32 : i32, i32
  }
}

module attributes {stable_mosaic.version = 14 : i64} {
  func.func @_lstm_kernel(%arg0: i32, %arg1: memref<2x400x64xf32, #tpu.memory_space<vmem>>, %arg2: memref<400x64xf32, #tpu.memory_space<vmem>>, %arg3: memref<400x1xf32, #tpu.memory_space<vmem>>, %arg4: memref<1x64xf32, #tpu.memory_space<vmem>>, %arg5: memref<64x64xf32, #tpu.memory_space<vmem>>, %arg6: memref<64x64xf32, #tpu.memory_space<vmem>>, %arg7: memref<64x64xf32, #tpu.memory_space<vmem>>, %arg8: memref<64x64xf32, #tpu.memory_space<vmem>>, %arg9: memref<1x64xf32, #tpu.memory_space<vmem>>, %arg10: memref<1x64xf32, #tpu.memory_space<vmem>>, %arg11: memref<1x64xf32, #tpu.memory_space<vmem>>, %arg12: memref<1x64xf32, #tpu.memory_space<vmem>>, %arg13: memref<64x64xf32, #tpu.memory_space<vmem>>, %arg14: memref<64x64xf32, #tpu.memory_space<vmem>>, %arg15: memref<64x64xf32, #tpu.memory_space<vmem>>, %arg16: memref<64x64xf32, #tpu.memory_space<vmem>>, %arg17: memref<400x64xf32, #tpu.memory_space<vmem>>, %arg18: memref<400x64xf32, #tpu.memory_space<vmem>>, %arg19: memref<400x64xf32, #tpu.memory_space<vmem>>, %arg20: memref<400x64xf32, #tpu.memory_space<vmem>>, %arg21: memref<400x64xf32, #tpu.memory_space<vmem>>, %arg22: memref<1x64xf32, #tpu.memory_space<vmem>>, %arg23: memref<1x64xf32, #tpu.memory_space<vmem>>) attributes {dimension_semantics = [#tpu.dimension_semantics<arbitrary>], iteration_bounds = array<i64: 25>, scalar_prefetch = 0 : i64, scratch_operands = 6 : i64, tpu.core_type = #tpu.core_type<tc>, window_params = [{transform_indices = @transform_0, window_bounds = array<i64: 2, 400, 64>}, {transform_indices = @transform_1, window_bounds = array<i64: 400, 64>}, {transform_indices = @transform_2, window_bounds = array<i64: 400, 1>}, {pipeline_mode = #tpu.pipeline_mode<synchronous>, transform_indices = @transform_3, window_bounds = array<i64: 1, 64>}, {pipeline_mode = #tpu.pipeline_mode<synchronous>, transform_indices = @transform_4, window_bounds = array<i64: 64, 64>}, {pipeline_mode = #tpu.pipeline_mode<synchronous>, transform_indices = @transform_5, window_bounds = array<i64: 64, 64>}, {pipeline_mode = #tpu.pipeline_mode<synchronous>, transform_indices = @transform_6, window_bounds = array<i64: 64, 64>}, {pipeline_mode = #tpu.pipeline_mode<synchronous>, transform_indices = @transform_7, window_bounds = array<i64: 64, 64>}, {pipeline_mode = #tpu.pipeline_mode<synchronous>, transform_indices = @transform_8, window_bounds = array<i64: 1, 64>}, {pipeline_mode = #tpu.pipeline_mode<synchronous>, transform_indices = @transform_9, window_bounds = array<i64: 1, 64>}, {pipeline_mode = #tpu.pipeline_mode<synchronous>, transform_indices = @transform_10, window_bounds = array<i64: 1, 64>}, {pipeline_mode = #tpu.pipeline_mode<synchronous>, transform_indices = @transform_11, window_bounds = array<i64: 1, 64>}, {pipeline_mode = #tpu.pipeline_mode<synchronous>, transform_indices = @transform_12, window_bounds = array<i64: 64, 64>}, {pipeline_mode = #tpu.pipeline_mode<synchronous>, transform_indices = @transform_13, window_bounds = array<i64: 64, 64>}, {pipeline_mode = #tpu.pipeline_mode<synchronous>, transform_indices = @transform_14, window_bounds = array<i64: 64, 64>}, {pipeline_mode = #tpu.pipeline_mode<synchronous>, transform_indices = @transform_15, window_bounds = array<i64: 64, 64>}, {transform_indices = @transform_16, window_bounds = array<i64: 400, 64>}]} {
    %eq3A = arith.constant 0 : i32
    %eq3A_0 = arith.cmpi eq, %arg0, %eq3A : i32
    %convert_element_type3A = arith.extui %eq3A_0 : i1 to i32
    %cond3A = arith.constant 0 : i32
    %cond3A_1 = arith.cmpi ne, %convert_element_type3A, %cond3A : i32
    scf.if %cond3A_1 {
      %broadcast_in_dim3A = arith.constant 0.000000e+00 : f32
      %broadcast_in_dim3A_104 = vector.broadcast %broadcast_in_dim3A : f32 to vector<1x64xf32>
      %swap3A_105 = arith.constant 0 : index
      %swap3A_106 = arith.constant 0 : index
      %swap3A_107 = vector.load %arg22[%swap3A_105, %swap3A_106] : memref<1x64xf32, #tpu.memory_space<vmem>>, vector<1x64xf32>
      tpu.vector_store %arg22[%swap3A_105, %swap3A_106], %broadcast_in_dim3A_104 {strides = array<i32>} : memref<1x64xf32, #tpu.memory_space<vmem>>, vector<1x64xf32>,
      %broadcast_in_dim3A_108 = arith.constant 0.000000e+00 : f32
      %broadcast_in_dim3A_109 = vector.broadcast %broadcast_in_dim3A_108 : f32 to vector<1x64xf32>
      %swap3A_110 = arith.constant 0 : index
      %swap3A_111 = arith.constant 0 : index
      %swap3A_112 = vector.load %arg23[%swap3A_110, %swap3A_111] : memref<1x64xf32, #tpu.memory_space<vmem>>, vector<1x64xf32>
      tpu.vector_store %arg23[%swap3A_110, %swap3A_111], %broadcast_in_dim3A_109 {strides = array<i32>} : memref<1x64xf32, #tpu.memory_space<vmem>>, vector<1x64xf32>,
    } else {
    }
    %get3A = arith.constant 0 : index
    %get3A_2 = arith.constant 0 : index
    %get3A_3 = arith.constant 0 : index
    %get3A_4 = vector.load %arg1[%get3A, %get3A_2, %get3A_3] : memref<2x400x64xf32, #tpu.memory_space<vmem>>, vector<1x400x64xf32>
    %get3A_5 = vector.shape_cast %get3A_4 : vector<1x400x64xf32> to vector<400x64xf32>
    %get3A_6 = arith.constant 1 : index
    %get3A_7 = arith.constant 0 : index
    %get3A_8 = arith.constant 0 : index
    %get3A_9 = vector.load %arg1[%get3A_6, %get3A_7, %get3A_8] : memref<2x400x64xf32, #tpu.memory_space<vmem>>, vector<1x400x64xf32>
    %get3A_10 = vector.shape_cast %get3A_9 : vector<1x400x64xf32> to vector<400x64xf32>
    %add3A = arith.addf %get3A_5, %get3A_10 : vector<400x64xf32>
    %get3A_11 = arith.constant 0 : index
    %get3A_12 = arith.constant 0 : index
    %get3A_13 = vector.load %arg2[%get3A_11, %get3A_12] : memref<400x64xf32, #tpu.memory_space<vmem>>, vector<400x64xf32>
    %sub3A = arith.subf %add3A, %get3A_13 : vector<400x64xf32>
    %get3A_14 = arith.constant 0 : index
    %get3A_15 = arith.constant 0 : index
    %get3A_16 = vector.load %arg3[%get3A_14, %get3A_15] : memref<400x1xf32, #tpu.memory_space<vmem>>, vector<400x1xf32>
    %mul3A = vector.broadcast %get3A_16 : vector<400x1xf32> to vector<400x64xf32>
    %mul3A_17 = arith.mulf %mul3A, %sub3A : vector<400x64xf32>
    %get3A_18 = arith.constant 0 : index
    %get3A_19 = arith.constant 0 : index
    %get3A_20 = vector.load %arg4[%get3A_18, %get3A_19] : memref<1x64xf32, #tpu.memory_space<vmem>>, vector<1x64xf32>
    %add3A_21 = vector.broadcast %get3A_20 : vector<1x64xf32> to vector<400x64xf32>
    %add3A_22 = arith.addf %mul3A_17, %add3A_21 : vector<400x64xf32>
    %max3A = arith.constant 0.000000e+00 : f32
    %max3A_23 = vector.broadcast %max3A : f32 to vector<400x64xf32>
    %max3A_24 = arith.maximumf %add3A_22, %max3A_23 : vector<400x64xf32>
    %get3A_25 = arith.constant 0 : index
    %get3A_26 = arith.constant 0 : index
    %get3A_27 = vector.load %arg5[%get3A_25, %get3A_26] : memref<64x64xf32, #tpu.memory_space<vmem>>, vector<64x64xf32>
    %dot_general3A = arith.constant dense<0.000000e+00> : vector<400x64xf32>
    %dot_general3A_28 = tpu.matmul %max3A_24, %get3A_27, %dot_general3A {dimension_numbers = #tpu.dot_dimension_numbers<[1], [0], [0], [1], [0, 0, 1, 1], [], []>, transpose_lhs_hint = false} : vector<400x64xf32>, vector<64x64xf32>, vector<400x64xf32> -> vector<400x64xf32>
    %get3A_29 = arith.constant 0 : index
    %get3A_30 = arith.constant 0 : index
    %get3A_31 = vector.load %arg9[%get3A_29, %get3A_30] : memref<1x64xf32, #tpu.memory_space<vmem>>, vector<1x64xf32>
    %add3A_32 = vector.broadcast %get3A_31 : vector<1x64xf32> to vector<400x64xf32>
    %add3A_33 = arith.addf %dot_general3A_28, %add3A_32 : vector<400x64xf32>
    %swap3A = arith.constant 0 : index
    %swap3A_34 = arith.constant 0 : index
    %swap3A_35 = vector.load %arg18[%swap3A, %swap3A_34] : memref<400x64xf32, #tpu.memory_space<vmem>>, vector<400x64xf32>
    tpu.vector_store %arg18[%swap3A, %swap3A_34], %add3A_33 {strides = array<i32>} : memref<400x64xf32, #tpu.memory_space<vmem>>, vector<400x64xf32>,
    %get3A_36 = arith.constant 0 : index
    %get3A_37 = arith.constant 0 : index
    %get3A_38 = vector.load %arg6[%get3A_36, %get3A_37] : memref<64x64xf32, #tpu.memory_space<vmem>>, vector<64x64xf32>
    %dot_general3A_39 = arith.constant dense<0.000000e+00> : vector<400x64xf32>
    %dot_general3A_40 = tpu.matmul %max3A_24, %get3A_38, %dot_general3A_39 {dimension_numbers = #tpu.dot_dimension_numbers<[1], [0], [0], [1], [0, 0, 1, 1], [], []>, transpose_lhs_hint = false} : vector<400x64xf32>, vector<64x64xf32>, vector<400x64xf32> -> vector<400x64xf32>
    %get3A_41 = arith.constant 0 : index
    %get3A_42 = arith.constant 0 : index
    %get3A_43 = vector.load %arg10[%get3A_41, %get3A_42] : memref<1x64xf32, #tpu.memory_space<vmem>>, vector<1x64xf32>
    %add3A_44 = vector.broadcast %get3A_43 : vector<1x64xf32> to vector<400x64xf32>
    %add3A_45 = arith.addf %dot_general3A_40, %add3A_44 : vector<400x64xf32>
    %swap3A_46 = arith.constant 0 : index
    %swap3A_47 = arith.constant 0 : index
    %swap3A_48 = vector.load %arg19[%swap3A_46, %swap3A_47] : memref<400x64xf32, #tpu.memory_space<vmem>>, vector<400x64xf32>
    tpu.vector_store %arg19[%swap3A_46, %swap3A_47], %add3A_45 {strides = array<i32>} : memref<400x64xf32, #tpu.memory_space<vmem>>, vector<400x64xf32>,
    %get3A_49 = arith.constant 0 : index
    %get3A_50 = arith.constant 0 : index
    %get3A_51 = vector.load %arg7[%get3A_49, %get3A_50] : memref<64x64xf32, #tpu.memory_space<vmem>>, vector<64x64xf32>
    %dot_general3A_52 = arith.constant dense<0.000000e+00> : vector<400x64xf32>
    %dot_general3A_53 = tpu.matmul %max3A_24, %get3A_51, %dot_general3A_52 {dimension_numbers = #tpu.dot_dimension_numbers<[1], [0], [0], [1], [0, 0, 1, 1], [], []>, transpose_lhs_hint = false} : vector<400x64xf32>, vector<64x64xf32>, vector<400x64xf32> -> vector<400x64xf32>
    %get3A_54 = arith.constant 0 : index
    %get3A_55 = arith.constant 0 : index
    %get3A_56 = vector.load %arg11[%get3A_54, %get3A_55] : memref<1x64xf32, #tpu.memory_space<vmem>>, vector<1x64xf32>
    %add3A_57 = vector.broadcast %get3A_56 : vector<1x64xf32> to vector<400x64xf32>
    %add3A_58 = arith.addf %dot_general3A_53, %add3A_57 : vector<400x64xf32>
    %swap3A_59 = arith.constant 0 : index
    %swap3A_60 = arith.constant 0 : index
    %swap3A_61 = vector.load %arg20[%swap3A_59, %swap3A_60] : memref<400x64xf32, #tpu.memory_space<vmem>>, vector<400x64xf32>
    tpu.vector_store %arg20[%swap3A_59, %swap3A_60], %add3A_58 {strides = array<i32>} : memref<400x64xf32, #tpu.memory_space<vmem>>, vector<400x64xf32>,
    %get3A_62 = arith.constant 0 : index
    %get3A_63 = arith.constant 0 : index
    %get3A_64 = vector.load %arg8[%get3A_62, %get3A_63] : memref<64x64xf32, #tpu.memory_space<vmem>>, vector<64x64xf32>
    %dot_general3A_65 = arith.constant dense<0.000000e+00> : vector<400x64xf32>
    %dot_general3A_66 = tpu.matmul %max3A_24, %get3A_64, %dot_general3A_65 {dimension_numbers = #tpu.dot_dimension_numbers<[1], [0], [0], [1], [0, 0, 1, 1], [], []>, transpose_lhs_hint = false} : vector<400x64xf32>, vector<64x64xf32>, vector<400x64xf32> -> vector<400x64xf32>
    %get3A_67 = arith.constant 0 : index
    %get3A_68 = arith.constant 0 : index
    %get3A_69 = vector.load %arg12[%get3A_67, %get3A_68] : memref<1x64xf32, #tpu.memory_space<vmem>>, vector<1x64xf32>
    %add3A_70 = vector.broadcast %get3A_69 : vector<1x64xf32> to vector<400x64xf32>
    %add3A_71 = arith.addf %dot_general3A_66, %add3A_70 : vector<400x64xf32>
    %swap3A_72 = arith.constant 0 : index
    %swap3A_73 = arith.constant 0 : index
    %swap3A_74 = vector.load %arg21[%swap3A_72, %swap3A_73] : memref<400x64xf32, #tpu.memory_space<vmem>>, vector<400x64xf32>
    tpu.vector_store %arg21[%swap3A_72, %swap3A_73], %add3A_71 {strides = array<i32>} : memref<400x64xf32, #tpu.memory_space<vmem>>, vector<400x64xf32>,
    %get3A_75 = arith.constant 0 : index
    %get3A_76 = arith.constant 0 : index
    %get3A_77 = vector.load %arg13[%get3A_75, %get3A_76] : memref<64x64xf32, #tpu.memory_space<vmem>>, vector<64x64xf32>
    %get3A_78 = arith.constant 0 : index
    %get3A_79 = arith.constant 0 : index
    %get3A_80 = vector.load %arg14[%get3A_78, %get3A_79] : memref<64x64xf32, #tpu.memory_space<vmem>>, vector<64x64xf32>
    %get3A_81 = arith.constant 0 : index
    %get3A_82 = arith.constant 0 : index
    %get3A_83 = vector.load %arg15[%get3A_81, %get3A_82] : memref<64x64xf32, #tpu.memory_space<vmem>>, vector<64x64xf32>
    %get3A_84 = arith.constant 0 : index
    %get3A_85 = arith.constant 0 : index
    %get3A_86 = vector.load %arg16[%get3A_84, %get3A_85] : memref<64x64xf32, #tpu.memory_space<vmem>>, vector<64x64xf32>
    %get3A_87 = arith.constant 0 : index
    %get3A_88 = arith.constant 0 : index
    %get3A_89 = vector.load %arg22[%get3A_87, %get3A_88] : memref<1x64xf32, #tpu.memory_space<vmem>>, vector<1x64xf32>
    %get3A_90 = arith.constant 0 : index
    %get3A_91 = arith.constant 0 : index
    %get3A_92 = vector.load %arg23[%get3A_90, %get3A_91] : memref<1x64xf32, #tpu.memory_space<vmem>>, vector<1x64xf32>
    %scan3A = arith.constant 0 : i32
    %scan3A_93 = arith.constant 400 : i32
    %scan3A_94 = arith.addi %scan3A, %scan3A_93 : i32
    %scan3A_95 = arith.constant 1 : i32
    %scan3A_96:2 = scf.for %scan3A_104 = %scan3A to %scan3A_94 step %scan3A_95 iter_args(%scan3A_105 = %get3A_89, %scan3A_106 = %get3A_92) -> (vector<1x64xf32>, vector<1x64xf32>)  : i32 {
      %get3A_107 = arith.index_cast %scan3A_104 : i32 to index
      %get3A_108 = arith.constant 0 : index
      %get3A_109 = vector.load %arg18[%get3A_107, %get3A_108] : memref<400x64xf32, #tpu.memory_space<vmem>>, vector<1x64xf32>
      %dot_general3A_110 = arith.constant dense<0.000000e+00> : vector<1x64xf32>
      %dot_general3A_111 = tpu.matmul %scan3A_105, %get3A_77, %dot_general3A_110 {dimension_numbers = #tpu.dot_dimension_numbers<[1], [0], [0], [1], [0, 0, 1, 1], [], []>, transpose_lhs_hint = false} : vector<1x64xf32>, vector<64x64xf32>, vector<1x64xf32> -> vector<1x64xf32>
      %add3A_112 = arith.addf %get3A_109, %dot_general3A_111 : vector<1x64xf32>
      %mul3A_113 = arith.constant 5.000000e-01 : f32
      %mul3A_114 = vector.broadcast %mul3A_113 : f32 to vector<1x64xf32>
      %mul3A_115 = arith.mulf %mul3A_114, %add3A_112 : vector<1x64xf32>
      %tanh3A = math.tanh %mul3A_115 : vector<1x64xf32>
      %mul3A_116 = arith.constant 5.000000e-01 : f32
      %mul3A_117 = vector.broadcast %mul3A_116 : f32 to vector<1x64xf32>
      %mul3A_118 = arith.mulf %mul3A_117, %tanh3A : vector<1x64xf32>
      %add3A_119 = arith.constant 5.000000e-01 : f32
      %add3A_120 = vector.broadcast %add3A_119 : f32 to vector<1x64xf32>
      %add3A_121 = arith.addf %mul3A_118, %add3A_120 : vector<1x64xf32>
      %get3A_122 = arith.index_cast %scan3A_104 : i32 to index
      %get3A_123 = arith.constant 0 : index
      %get3A_124 = vector.load %arg19[%get3A_122, %get3A_123] : memref<400x64xf32, #tpu.memory_space<vmem>>, vector<1x64xf32>
      %dot_general3A_125 = arith.constant dense<0.000000e+00> : vector<1x64xf32>
      %dot_general3A_126 = tpu.matmul %scan3A_105, %get3A_80, %dot_general3A_125 {dimension_numbers = #tpu.dot_dimension_numbers<[1], [0], [0], [1], [0, 0, 1, 1], [], []>, transpose_lhs_hint = false} : vector<1x64xf32>, vector<64x64xf32>, vector<1x64xf32> -> vector<1x64xf32>
      %add3A_127 = arith.addf %get3A_124, %dot_general3A_126 : vector<1x64xf32>
      %mul3A_128 = arith.constant 5.000000e-01 : f32
      %mul3A_129 = vector.broadcast %mul3A_128 : f32 to vector<1x64xf32>
      %mul3A_130 = arith.mulf %mul3A_129, %add3A_127 : vector<1x64xf32>
      %tanh3A_131 = math.tanh %mul3A_130 : vector<1x64xf32>
      %mul3A_132 = arith.constant 5.000000e-01 : f32
      %mul3A_133 = vector.broadcast %mul3A_132 : f32 to vector<1x64xf32>
      %mul3A_134 = arith.mulf %mul3A_133, %tanh3A_131 : vector<1x64xf32>
      %add3A_135 = arith.constant 5.000000e-01 : f32
      %add3A_136 = vector.broadcast %add3A_135 : f32 to vector<1x64xf32>
      %add3A_137 = arith.addf %mul3A_134, %add3A_136 : vector<1x64xf32>
      %get3A_138 = arith.index_cast %scan3A_104 : i32 to index
      %get3A_139 = arith.constant 0 : index
      %get3A_140 = vector.load %arg20[%get3A_138, %get3A_139] : memref<400x64xf32, #tpu.memory_space<vmem>>, vector<1x64xf32>
      %dot_general3A_141 = arith.constant dense<0.000000e+00> : vector<1x64xf32>
      %dot_general3A_142 = tpu.matmul %scan3A_105, %get3A_83, %dot_general3A_141 {dimension_numbers = #tpu.dot_dimension_numbers<[1], [0], [0], [1], [0, 0, 1, 1], [], []>, transpose_lhs_hint = false} : vector<1x64xf32>, vector<64x64xf32>, vector<1x64xf32> -> vector<1x64xf32>
      %add3A_143 = arith.addf %get3A_140, %dot_general3A_142 : vector<1x64xf32>
      %tanh3A_144 = math.tanh %add3A_143 : vector<1x64xf32>
      %get3A_145 = arith.index_cast %scan3A_104 : i32 to index
      %get3A_146 = arith.constant 0 : index
      %get3A_147 = vector.load %arg21[%get3A_145, %get3A_146] : memref<400x64xf32, #tpu.memory_space<vmem>>, vector<1x64xf32>
      %dot_general3A_148 = arith.constant dense<0.000000e+00> : vector<1x64xf32>
      %dot_general3A_149 = tpu.matmul %scan3A_105, %get3A_86, %dot_general3A_148 {dimension_numbers = #tpu.dot_dimension_numbers<[1], [0], [0], [1], [0, 0, 1, 1], [], []>, transpose_lhs_hint = false} : vector<1x64xf32>, vector<64x64xf32>, vector<1x64xf32> -> vector<1x64xf32>
      %add3A_150 = arith.addf %get3A_147, %dot_general3A_149 : vector<1x64xf32>
      %mul3A_151 = arith.constant 5.000000e-01 : f32
      %mul3A_152 = vector.broadcast %mul3A_151 : f32 to vector<1x64xf32>
      %mul3A_153 = arith.mulf %mul3A_152, %add3A_150 : vector<1x64xf32>
      %tanh3A_154 = math.tanh %mul3A_153 : vector<1x64xf32>
      %mul3A_155 = arith.constant 5.000000e-01 : f32
      %mul3A_156 = vector.broadcast %mul3A_155 : f32 to vector<1x64xf32>
      %mul3A_157 = arith.mulf %mul3A_156, %tanh3A_154 : vector<1x64xf32>
      %add3A_158 = arith.constant 5.000000e-01 : f32
      %add3A_159 = vector.broadcast %add3A_158 : f32 to vector<1x64xf32>
      %add3A_160 = arith.addf %mul3A_157, %add3A_159 : vector<1x64xf32>
      %mul3A_161 = arith.mulf %add3A_137, %scan3A_106 : vector<1x64xf32>
      %mul3A_162 = arith.mulf %add3A_121, %tanh3A_144 : vector<1x64xf32>
      %add3A_163 = arith.addf %mul3A_161, %mul3A_162 : vector<1x64xf32>
      %tanh3A_164 = math.tanh %add3A_163 : vector<1x64xf32>
      %mul3A_165 = arith.mulf %add3A_160, %tanh3A_164 : vector<1x64xf32>
      %swap3A_166 = arith.index_cast %scan3A_104 : i32 to index
      %swap3A_167 = arith.constant 0 : index
      %swap3A_168 = vector.load %arg17[%swap3A_166, %swap3A_167] : memref<400x64xf32, #tpu.memory_space<vmem>>, vector<1x64xf32>
      tpu.vector_store %arg17[%swap3A_166, %swap3A_167], %mul3A_165 {strides = array<i32>} : memref<400x64xf32, #tpu.memory_space<vmem>>, vector<1x64xf32>,
      scf.yield %mul3A_165, %add3A_163 : vector<1x64xf32>, vector<1x64xf32>
    }
    %scan3A_97 = arith.constant 400 : i32
    %swap3A_98 = arith.constant 0 : index
    %swap3A_99 = arith.constant 0 : index
    %swap3A_100 = vector.load %arg22[%swap3A_98, %swap3A_99] : memref<1x64xf32, #tpu.memory_space<vmem>>, vector<1x64xf32>
    tpu.vector_store %arg22[%swap3A_98, %swap3A_99], %scan3A_96#0 {strides = array<i32>} : memref<1x64xf32, #tpu.memory_space<vmem>>, vector<1x64xf32>,
    %swap3A_101 = arith.constant 0 : index
    %swap3A_102 = arith.constant 0 : index
    %swap3A_103 = vector.load %arg23[%swap3A_101, %swap3A_102] : memref<1x64xf32, #tpu.memory_space<vmem>>, vector<1x64xf32>
    tpu.vector_store %arg23[%swap3A_101, %swap3A_102], %scan3A_96#1 {strides = array<i32>} : memref<1x64xf32, #tpu.memory_space<vmem>>, vector<1x64xf32>,
    return
  }
  func.func @transform_0(%arg0: i32) -> (i32, i32, i32) {
    %c0_i32 = arith.constant 0 : i32
    %c0_i32_0 = arith.constant 0 : i32
    %c0_i32_1 = arith.constant 0 : i32
    return %c0_i32, %arg0, %c0_i32_0 : i32, i32, i32
  }
  func.func @transform_1(%arg0: i32) -> (i32, i32) {
    %c0_i32 = arith.constant 0 : i32
    %c0_i32_0 = arith.constant 0 : i32
    return %arg0, %c0_i32 : i32, i32
  }
  func.func @transform_2(%arg0: i32) -> (i32, i32) {
    %c0_i32 = arith.constant 0 : i32
    %c0_i32_0 = arith.constant 0 : i32
    return %arg0, %c0_i32 : i32, i32
  }
  func.func @transform_3(%arg0: i32) -> (i32, i32) {
    %c0_i32 = arith.constant 0 : i32
    %c0_i32_0 = arith.constant 0 : i32
    %c0_i32_1 = arith.constant 0 : i32
    return %c0_i32, %c0_i32_0 : i32, i32
  }
  func.func @transform_4(%arg0: i32) -> (i32, i32) {
    %c0_i32 = arith.constant 0 : i32
    %c0_i32_0 = arith.constant 0 : i32
    %c0_i32_1 = arith.constant 0 : i32
    return %c0_i32, %c0_i32_0 : i32, i32
  }
  func.func @transform_5(%arg0: i32) -> (i32, i32) {
    %c0_i32 = arith.constant 0 : i32
    %c0_i32_0 = arith.constant 0 : i32
    %c0_i32_1 = arith.constant 0 : i32
    return %c0_i32, %c0_i32_0 : i32, i32
  }
  func.func @transform_6(%arg0: i32) -> (i32, i32) {
    %c0_i32 = arith.constant 0 : i32
    %c0_i32_0 = arith.constant 0 : i32
    %c0_i32_1 = arith.constant 0 : i32
    return %c0_i32, %c0_i32_0 : i32, i32
  }
  func.func @transform_7(%arg0: i32) -> (i32, i32) {
    %c0_i32 = arith.constant 0 : i32
    %c0_i32_0 = arith.constant 0 : i32
    %c0_i32_1 = arith.constant 0 : i32
    return %c0_i32, %c0_i32_0 : i32, i32
  }
  func.func @transform_8(%arg0: i32) -> (i32, i32) {
    %c0_i32 = arith.constant 0 : i32
    %c0_i32_0 = arith.constant 0 : i32
    %c0_i32_1 = arith.constant 0 : i32
    return %c0_i32, %c0_i32_0 : i32, i32
  }
  func.func @transform_9(%arg0: i32) -> (i32, i32) {
    %c0_i32 = arith.constant 0 : i32
    %c0_i32_0 = arith.constant 0 : i32
    %c0_i32_1 = arith.constant 0 : i32
    return %c0_i32, %c0_i32_0 : i32, i32
  }
  func.func @transform_10(%arg0: i32) -> (i32, i32) {
    %c0_i32 = arith.constant 0 : i32
    %c0_i32_0 = arith.constant 0 : i32
    %c0_i32_1 = arith.constant 0 : i32
    return %c0_i32, %c0_i32_0 : i32, i32
  }
  func.func @transform_11(%arg0: i32) -> (i32, i32) {
    %c0_i32 = arith.constant 0 : i32
    %c0_i32_0 = arith.constant 0 : i32
    %c0_i32_1 = arith.constant 0 : i32
    return %c0_i32, %c0_i32_0 : i32, i32
  }
  func.func @transform_12(%arg0: i32) -> (i32, i32) {
    %c0_i32 = arith.constant 0 : i32
    %c0_i32_0 = arith.constant 0 : i32
    %c0_i32_1 = arith.constant 0 : i32
    return %c0_i32, %c0_i32_0 : i32, i32
  }
  func.func @transform_13(%arg0: i32) -> (i32, i32) {
    %c0_i32 = arith.constant 0 : i32
    %c0_i32_0 = arith.constant 0 : i32
    %c0_i32_1 = arith.constant 0 : i32
    return %c0_i32, %c0_i32_0 : i32, i32
  }
  func.func @transform_14(%arg0: i32) -> (i32, i32) {
    %c0_i32 = arith.constant 0 : i32
    %c0_i32_0 = arith.constant 0 : i32
    %c0_i32_1 = arith.constant 0 : i32
    return %c0_i32, %c0_i32_0 : i32, i32
  }
  func.func @transform_15(%arg0: i32) -> (i32, i32) {
    %c0_i32 = arith.constant 0 : i32
    %c0_i32_0 = arith.constant 0 : i32
    %c0_i32_1 = arith.constant 0 : i32
    return %c0_i32, %c0_i32_0 : i32, i32
  }
  func.func @transform_16(%arg0: i32) -> (i32, i32) {
    %c0_i32 = arith.constant 0 : i32
    %c0_i32_0 = arith.constant 0 : i32
    return %arg0, %c0_i32 : i32, i32
  }
}

</mosaic_0001>

<sc_bundles>
// kernel: kernel.6.cloned.1.call-start
scs
__scs_entry_jumppad:
0x0: {  	(pc) =	sbr.rel $0x88, $3  }
0x1: {  	(tag) =	ssettag $0x0;
	lr =	simm.s32 $0x1  }
0x2: {  	[smem:$0x3F99] =	sst lr;
	_ =	strace $0xD0000000  }
0x3: {  	_ = 	snop  }
0x4: {  	_ = 	snop  }
0x5: {  	_ = 	snop  }
0x6: {  	_ = 	snop  }
0x7: {  	_ = 	snop  }
__scs_overlays_trampoline_lowered:
0x8: {  	[smem:$0x3FA8] =	sst s0  }
0x9: {  	[smem:$0x3FA9] =	sst s1  }
0xa: {  	[smem:$0x3FAA] =	sst s2  }
0xb: {  	[smem:$0x3FAB] =	sst s3  }
0xc: {  	[smem:$0x3FAC] =	sst s4  }
0xd: {  	[smem:$0x3FAD] =	sst s5  }
0xe: {  	[smem:$0x3FAE] =	sst s6  }
0xf: {  	[smem:$0x3FAF] =	sst s7  }
0x10: {  	[smem:$0x3FB0] =	sst s8  }
0x11: {  	[smem:$0x3FB1] =	sst s9;
	s0 =	simm.s32 @!p0 $0x0  }
0x12: {  	s1 =	sld [smem:$0x3F97];
	s0 =	simm.s32 @p0 $0x1  }
0x13: {  	[smem:$0x3FB2] =	sst s0;
	s0 =	simm.s32 @!p1 $0x0  }
0x14: {  	s2 =	sld [smem:$0x3F96];
	s0 =	simm.s32 @p1 $0x1  }
0x15: {  	[smem:$0x3FB3] =	sst s0;
	s0 =	simm.s32 @!p2 $0x0  }
0x16: {  	s3 =	sld [smem:$0x3FDB];
	s0 =	simm.s32 @p2 $0x1  }
0x17: {  	s4 =	simm.s32 $0x1BF5;
	[smem:$0x3FB5] =	sst s0  }
0x18: {  	s0 =	sld [smem:$0x3F98];
	_ =	swait.ge [sflag:s4], $0x0  }
0x19: {  	s7 =	sld [smem:$0x3F99]  }
0x1a: {  	s8 =	sadd.s32 $0xFFFFE003, lr  }
0x1b: {  	s9 =	sadd.s32 $0xFFFFFEF7, lr;
	s5 =	simm.s32 $0xFFFFFFFF;
	p2 =	slt.u32 s8, $0xFFFFF086  }
0x1c: {  	p1 =	slt.u32 s9, $0xF7A;
	s5 =	simm.s32 @!p2 $0x0  }
0x1d: {  	s5 =	simm.s32 @p1 $0x1;
	p0 =	seq.s32 s7, s2  }
0x1e: {  	s7 =	smul.u32 @!p0 $0xF7A, s2;
	p2 =	seq.s32 @!p0 s5, $0x0  }
0x1f: {  	s9 =	smul.u32 $0xF7A, s1;
	s8 =	simm.s32 @!p0 $0x1BF5;
	p2 =	por !p2, p0  }
0x20: {  	[sflag:s8] =	ssyncset.s32 @!p0 $0xFFFFF086;
	s6 =	sadd.s32 @!p0 s3, s7;
	s7 =	simm.s32 @!p0 $0x108  }
0x21: {  	s3 =	sadd.s32 s3, s9;
	s6 =	sadd.s32 @!p0 $0x88, s6;
	s7 =	simm.s32 @p2 $0x1082  }
0x22: {  	[simem:s7], [sflag:s8] =	dma.local @!p0 [hbm:s6], $0xF7A  }
0x23: {  	s9 =	sor.u32 $0xD0000000, s2;
	s6 =	simm.s32 $0x108;
	_ =	swait.ge @!p0 [sflag:s8], $0x0  }
0x24: {  	s3 =	sadd.s32 $0x88, s3;
	s6 =	simm.s32 @!p1 $0x1082;
	[sflag:s4] =	ssyncset.s32 $0xFFFFF086  }
0x25: {  	[simem:s6], [sflag:s4] =	dma.local [hbm:s3], $0xF7A  }
0x26: {  	[smem:$0x3F99] =	sst s1;
	(tag) =	ssettag s2;
	_ =	strace s9  }
0x27: {  	s1 =	sld [smem:$0x3FA9]  }
0x28: {  	s2 =	sld [smem:$0x3FAA]  }
0x29: {  	s4 =	sld [smem:$0x3FAC]  }
0x2a: {  	p0 =	seq.s32 s5, $0x0;
	s5 =	sld [smem:$0x3FAD]  }
0x2b: {  	s6 =	sld [smem:$0x3FAE]  }
0x2c: {  	s7 =	sld [smem:$0x3FAF]  }
0x2d: {  	s3 =	simm.s32 $0x108;
	s8 =	sld [smem:$0x3FB0]  }
0x2e: {  	s3 =	simm.s32 @!p0 $0x1082;
	s9 =	sld [smem:$0x3FB1]  }
0x2f: {  	lr =	sadd.s32 s0, s3;
	s0 =	sld [smem:$0x3FA8]  }
0x30: {  	s3 =	sld [smem:$0x3FAB]  }
0x31: {  	[smem:$0x3FB4] =	sst s10  }
0x32: {  	s10 =	sld [smem:$0x3FB2];
	_ =	sdelay $0x3  }
0x33: {  	p0 =	seq.s32 s10, $0x1;
	s10 =	sld [smem:$0x3FB4];
	_ =	sdelay $0x3  }
0x34: {  	[smem:$0x3FB4] =	sst s10  }
0x35: {  	s10 =	sld [smem:$0x3FB3];
	_ =	sdelay $0x3  }
0x36: {  	p1 =	seq.s32 s10, $0x1;
	s10 =	sld [smem:$0x3FB4];
	_ =	sdelay $0x3  }
0x37: {  	[smem:$0x3FB4] =	sst s10  }
0x38: {  	s10 =	sld [smem:$0x3FB5]  }
0x39: {  	_ = 	snop;
	(pc) =	sbr.ind lr, $3  }
0x3a: {  	_ = 	snop  }
0x3b: {  	_ = 	snop  }
0x3c: {  	p2 =	seq.s32 s10, $0x1;
	s10 =	sld [smem:$0x3FB4]  }
0x3d: {  	_ =	shalt  }
0x3e: {  	_ =	shalt  }
0x3f: {  	_ =	shalt  }
0x40: {  	_ =	shalt  }
0x41: {  	_ =	shalt  }
0x42: {  	_ =	shalt  }
0x43: {  	_ =	shalt  }
0x44: {  	_ =	shalt  }
0x45: {  	_ =	shalt  }
0x46: {  	_ =	shalt  }
0x47: {  	_ =	shalt  }
0x48: {  	_ =	shalt  }
0x49: {  	_ =	shalt  }
0x4a: {  	_ =	shalt  }
0x4b: {  	_ =	shalt  }
0x4c: {  	_ =	shalt  }
0x4d: {  	_ =	shalt  }
0x4e: {  	_ =	shalt  }
0x4f: {  	_ =	shalt  }
0x50: {  	_ =	shalt  }
0x51: {  	_ =	shalt  }
0x52: {  	_ =	shalt  }
0x53: {  	_ =	shalt  }
0x54: {  	_ =	shalt  }
0x55: {  	_ =	shalt  }
0x56: {  	_ =	shalt  }
0x57: {  	_ =	shalt  }
0x58: {  	_ =	shalt  }
0x59: {  	_ =	shalt  }
0x5a: {  	_ =	shalt  }
0x5b: {  	_ =	shalt  }
0x5c: {  	_ =	shalt  }
0x5d: {  	_ =	shalt  }
0x5e: {  	_ =	shalt  }
0x5f: {  	_ =	shalt  }
0x60: {  	_ =	shalt  }
0x61: {  	_ =	shalt  }
0x62: {  	_ =	shalt  }
0x63: {  	_ =	shalt  }
0x64: {  	_ =	shalt  }
0x65: {  	_ =	shalt  }
0x66: {  	_ =	shalt  }
0x67: {  	_ =	shalt  }
0x68: {  	_ =	shalt  }
0x69: {  	_ =	shalt  }
0x6a: {  	_ =	shalt  }
0x6b: {  	_ =	shalt  }
0x6c: {  	_ =	shalt  }
0x6d: {  	_ =	shalt  }
0x6e: {  	_ =	shalt  }
0x6f: {  	_ =	shalt  }
0x70: {  	_ =	shalt  }
0x71: {  	_ =	shalt  }
0x72: {  	_ =	shalt  }
0x73: {  	_ =	shalt  }
0x74: {  	_ =	shalt  }
0x75: {  	_ =	shalt  }
0x76: {  	_ =	shalt  }
0x77: {  	_ =	shalt  }
0x78: {  	_ =	shalt  }
0x79: {  	_ =	shalt  }
0x7a: {  	_ =	shalt  }
0x7b: {  	_ =	shalt  }
0x7c: {  	_ =	shalt  }
0x7d: {  	_ =	shalt  }
0x7e: {  	_ =	shalt  }
0x7f: {  	_ =	shalt  }
0x80: {  	_ =	shalt  }
0x81: {  	_ =	shalt  }
0x82: {  	_ =	shalt  }
0x83: {  	_ =	shalt  }
0x84: {  	_ =	shalt  }
0x85: {  	_ =	shalt  }
0x86: {  	_ =	shalt  }
0x87: {  	_ =	shalt  }
.Lfunc_end0:
.L_simem_size_0:
called_computation_lowered:
.L_overlay_start_0:
0x88: {  	s2 =	sld [smem:$0x3FD9]  }
0x89: {  	s3 =	sld [smem:$0x3FFE];
	_ =	sdelay $0x1  }
0x8a: {  	s1 =	srdreg.scid  }
0x8b: {  	s0 =	sand.u32 $0x1, s1  }
0x8c: {  	s17 =	sshll.u32 s0, $0xA;
	s2 =	sadd.s32 s3, s2  }
0x8d: {  	s2 =	sadd.s32 s2, s17  }
0x8e: {  	[smem:$0x3FC0] =	sst s2  }
0x8f: {  	_ = 	snop  }
0x90: {  	s2 =	sld [smem:$0x3FD0];
	(tm) =	ssettm $0x1  }
0x91: {  	s18 =	sld [smem:$0x3FFB];
	_ =	sdelay $0x3  }
0x92: {  	_ =	strace s18  }
0x93: {  	s3 =	sld [smem:$0x3FFC];
	_ =	sdelay $0x3  }
0x94: {  	_ =	strace s3  }
0x95: {  	s3 =	sld [smem:$0x3FFD];
	_ =	sdelay $0x3  }
0x96: {  	_ =	strace s3  }
0x97: {  	_ =	strace $0x8FFFFFFF  }
0x98: {  	s19 =	sld [smem:$0x3FDB];
	_ =	sdelay $0x1  }
0x99: {  	s4 =	simm.s32 $_scs_section_size  }
0x9a: {  	s5 =	simm.s32 $_size__tile_overlayer_lowered;
	s6 =	simm.s32 $_tile_overlayer_lowered  }
0x9b: {  	s22 =	simm.s32 $0x1BFF;
	s21 =	sshll.u32 s6, $0x1;
	s3 =	sadd.s32 s4, s19  }
0x9c: {  	s7 =	simm.s32 $0x0;
	s20 =	sshll.u32 s5, $0x1;
	s5 =	sadd.s32 s21, s3  }
0x9d: {  	[timem:s7], [sflag:s22] =	dma.local [hbm:s5], s20  }
0x9e: {  	_ =	swait.ge [sflag:s22], s20  }
0x9f: {  	s4 =	ssub.s32 $0x0, s20;
	[sflag:s22] =	ssyncset.done $0x0  }
0xa0: {  	[sflag:s22] =	ssyncadd.s32 s4;
	_ =	sdelay $0x1  }
0xa1: {  	s23 =	simm.s32 $0x1B8B  }
0xa2: {  	_ =	swait.ge [sflag:s23], $0x1  }
0xa3: {  	[sflag:s23] =	ssyncset.done $0x0  }
0xa4: {  	s25 =	simm.s32 $0x1B8E;
	s24 =	sld [smem:$0x3FFE];
	[sflag:s23] =	ssyncadd.s32 $0xFFFFFFFF  }
0xa5: {  	s26 =	simm.s32 $execute0_lowered;
	[smem:$0x3FD2] =	sst s25  }
0xa6: {  	s5 =	sshll.u32 s26, $0x1;
	_ =	strace $0x80000046;
	[dreg:$0x1] =	wrdreg $0xFFFFFFFF  }
0xa7: {  	s28 =	simm.s32 $_size_execute0_lowered;
	s3 =	sadd.s32 s3, s5;
	[dreg:$0x0] =	wrdreg $0x0  }
0xa8: {  	s5 =	sshll.u32 s28, $0x1;
	[dreg:$0x2] =	wrdreg s3  }
0xa9: {  	[dreg:$0x3] =	wrdreg s5  }
0xaa: {  	[dreg:$0x4] =	wrdreg $0xC0  }
0xab: {  	_ =	task [dreg:s7], $0x5FFFF  }
0xac: {  	[dreg:$0x1] =	wrdreg $0xFFFFFFFF  }
0xad: {  	[dreg:$0x0] =	wrdreg $0x60  }
0xae: {  	[dreg:$0x2] =	wrdreg s24  }
0xaf: {  	[dreg:$0x3] =	wrdreg s2  }
0xb0: {  	[dreg:$0x4] =	wrdreg $0x5500  }
0xb1: {  	[dreg:$0x5] =	wrdreg $0x9  }
0xb2: {  	_ =	task.clear_ibuf [dreg:s7], $0x6FFFF;
	_ =	strace $0x90000046  }
0xb3: {  	s29 =	simm.s32 $0x9;
	_ =	strace $0x80000048  }
0xb4: {  	_ =	swait.ge [sflag:s29], $0x1  }
0xb5: {  	[sflag:s29] =	ssyncadd.s32 $0xFFFFFFFF  }
0xb6: {  	_ =	strace $0x90000048  }
0xb7: {  	_ =	sfence  }
0xb8: {  	s30 =	sld [smem:$0x0];
	_ =	sdelay $0x2  }
0xb9: {  	s31 =	sshll.u32 s1, $0xD;
	s1 =	sshrl.u32 s1, $0x2  }
0xba: {  	s3 =	sand.u32 $0x4000, s31;
	s1 =	sadd.s32 s1, s30  }
0xbb: {  	s0 =	sor.u32 s3, s0;
	s1 =	sshll.u32 s1, $0x11  }
0xbc: {  	s0 =	sor.u32 s1, s0  }
0xbd: {  	s0 =	sadd.s32 $0x8F2B, s0  }
0xbe: {  	[sflag:s0] =	ssyncadd.remote.s32 $0x1  }
0xbf: {  	_ =	sfence.sel $0xFFFF  }
0xc0: {  	[dreg:$0x0] =	wrdreg $0xFFFFFFFF;
	(pc) =	sbr.abs _section_cstart, $3  }
0xc1: {  	[dreg:$0x1] =	wrdreg $0xFFFFFFFF  }
0xc2: {  	_ =	task.clear_ibuf [dreg:s7], $0x2FFFF;
	_ =	strace $0x9FFFFFFF  }
0xc3: {  	(tm) =	ssettm $0x7FFFFFFF  }
tec
execute0_lowered:
.L_overlay_start_1:
0x0: {  	(tag) =	ssettag $0x1  }
0x1: {  	s4 =	rddreg [dreg:$0x0]  }
0x2: {  	s0 =	srdreg.scid;
	s7 =	rddreg [dreg:$0x1]  }
0x3: {  	s2 =	rddreg [dreg:$0x2];
	s5 =	sand.u32 $0x1, s0  }
0x4: {  	s0 =	stileid.u32;
	s6 =	smul.u32 $0x27100, s5  }
0x5: {  	s1 =	rddreg [dreg:$0x3];
	s8 =	smul.u32 $0x2710, s0  }
0x6: {  	s3 =	simm.s32 $0x0;
	s13 =	simm.s32 $0x0;
	s26 =	smul.u32 $0x2800, s0  }
0x7: {  	[smem:$0x7FF] =	sst s3;
	s10 =	ssub.s32 $0x2, s5;
	s5 =	smul.u32 $0x28000, s5  }
0x8: {  	_ =	strace $0x80000047;
	s31 =	sshll.u32 s0, $0x6;
	s29 =	sshrl.u32 s10, $0x1  }
0x9: {  	s6 =	sadd.s32 s8, s6;
	s9 =	sshrl.u32 s26, $0x3;
	s5 =	sadd.s32 s26, s5  }
0xa: {  	s30 =	sadd.s32 s26, s2;
	s6 =	sshrl.u32 s6, $0x3;
	s28 =	sadd.s32 s9, s4  }
0xb: {  	s9 =	ssub.s32 s10, s29;
	s12 =	sshrl.u32 s5, $0x3;
	s10 =	sshrl.u32 s30, $0x3  }
0xc: {  	s11 =	sadd.s32 s6, s4;
	s4 =	sadd.s32 $0x1A600, s4;
	s5 =	sadd.s32 $0x15600, s28  }
0xd: {  	s6 =	sor.u32 $0x1C01, s31;
	s7 =	sadd.s32 s7, s12;
	s8 =	smax.u32 s9, $0x1  }
0xe: {  	s12 =	simm.s32 $0x50;
	s9 =	sadd.s32 $0x1A00, s11;
	s11 =	simm.s32 $0x1  }
.LBB2_1:
0xf: {  	[spmem:s10], [sflag:s6] =	dma.local [hbm:s5], $0x500  }
0x10: {  	_ =	swait.ge [sflag:s11], $0x500  }
0x11: {  	[sflag:s11] =	ssyncset.done $0x0  }
0x12: {  	[sflag:s11] =	ssyncadd.s32 $0xFFFFFB00  }
0x13: {  	[tilespmem:s12], [sflag:$0x1] =	stream.linear.gather [hbm4b:s4+s3], $0x500, $0x38;
	[tilespmem:$0x2D50] =	vst v63  }
0x14: {  	_ =	swait.ge [sflag:s11], $0x500  }
0x15: {  	[sflag:s11] =	ssyncset.done $0x0  }
0x16: {  	[sflag:s11] =	ssyncadd.s32 $0xFFFFFB00  }
0x17: {  	s14 =	sadd.s32 $0x0, s9;
	[bflag:$0x0] =	sbarrier.arrive $0xFFFF  }
0x18: {  	[tilespmem:s3], [sflag:$0x1] =	stream.linear.gather [hbm4b:s14+s3], $0x50, $0x38;
	[tilespmem:$0x2D50] =	vst v63  }
0x19: {  	_ =	swait.ge [sflag:s11], $0x50  }
0x1a: {  	[sflag:s11] =	ssyncset.done $0x0  }
0x1b: {  	[sflag:s11] =	ssyncadd.s32 $0xFFFFFFB0  }
0x1c: {  	[spmem:s2] =	stream.indirect.scatter.add.f32 [tilespmem:s12], [sflag:$0x1], $0x10, s3, s12, $0xb8;
	[tilespmem:$0x2D50] =	vst v63  }
0x1d: {  	_ =	swait.ge [sflag:s11], $0x500  }
0x1e: {  	s15 =	simm.s32 $0x14;
	s14 =	simm.s32 $0xA;
	[sflag:s11] =	ssyncset.done $0x0  }
.LBB2_2:
0x1f: {  	s16 =	sadd.s32 s14, s9  }
0x20: {  	[sflag:s11] =	ssyncadd.s32 $0xFFFFFB00;
	s14 =	smov.u32 s15;
	s17 =	sadd.s32 $0xA, s15  }
0x21: {  	[tilespmem:s3], [sflag:$0x1] =	stream.linear.gather [hbm4b:s16+s3], $0x50, $0x38;
	[tilespmem:$0x2D50] =	vst v63  }
0x22: {  	p0 =	sne.s32 s15, $0x4D8;
	_ =	swait.ge [sflag:s11], $0x50  }
.Ltmp0:
0x23: {  	[sflag:s11] =	ssyncset.done $0x0;
	(pc) =	sbr.rel @p0 .LBB2_2-.Ltmp0, $4  }
0x24: {  	[sflag:s11] =	ssyncadd.s32 $0xFFFFFFB0  }
0x25: {  	[spmem:s2] =	stream.indirect.scatter.add.f32 [tilespmem:s12], [sflag:$0x1], $0x10, s3, s12, $0xb8;
	[tilespmem:$0x2D50] =	vst v63  }
0x26: {  	_ =	swait.ge [sflag:s11], $0x500  }
0x27: {  	s15 =	smov.u32 s17;
	[sflag:s11] =	ssyncset.done $0x0  }
0x28: {  	s14 =	sadd.s32 s14, s9;
	[sflag:s11] =	ssyncadd.s32 $0xFFFFFB00  }
0x29: {  	[tilespmem:s3], [sflag:$0x1] =	stream.linear.gather [hbm4b:s14+s3], $0x50, $0x38;
	[tilespmem:$0x2D50] =	vst v63  }
0x2a: {  	_ =	swait.ge [sflag:s11], $0x50  }
0x2b: {  	[sflag:s11] =	ssyncset.done $0x0  }
0x2c: {  	[sflag:s11] =	ssyncadd.s32 $0xFFFFFFB0  }
0x2d: {  	[spmem:s2] =	stream.indirect.scatter.add.f32 [tilespmem:s12], [sflag:$0x1], $0x10, s3, s12, $0xb8;
	[tilespmem:$0x2D50] =	vst v63  }
0x2e: {  	_ =	swait.ge [sflag:s11], $0x500  }
0x2f: {  	s13 =	sadd.s32 $0x1, s13;
	[sflag:s11] =	ssyncset.done $0x0  }
0x30: {  	p0 =	sne.s32 s13, s8;
	[sflag:s11] =	ssyncadd.s32 $0xFFFFFB00  }
.Ltmp1:
0x31: {  	[bflag:$0x0] =	sbarrier.arrive $0xFFFF;
	(pc) =	sbr.rel @p0 .LBB2_1-.Ltmp1, $4  }
0x32: {  	[hbm:s7], [sflag:s6] =	dma.local [spmem:s10], $0x500  }
0x33: {  	_ =	swait.ge [sflag:s11], $0x500  }
0x34: {  	[sflag:s11] =	ssyncset.done $0x0  }
0x35: {  	[sflag:s11] =	ssyncadd.s32 $0xFFFFFB00  }
0x36: {  	_ =	sfence.sel $0x180000  }
0x37: {  	[bflag:$0x0] =	sbarrier.arrive $0xFFFF  }
0x38: {  	p0 =	sne.s32 s0, $0x0;
	_ =	strace $0x90000047  }
0x39: {  	s0 =	sadd.s32 @!p0 $0x100000, s1;
	[bflag:$0x2] =	sbarrier.arrive $0xFFFF  }
0x3a: {  	[sflag:s0] =	ssyncadd.tile.s32 @!p0 $0x1;
	_ =	shalt  }
.Lfunc_end2:
_tile_overlayer_lowered:
.L_overlay_start_2:
0x3b: {  	(tag) =	ssettag $0x2  }
0x3c: {  	s0 =	rddreg [dreg:$0x0];
	s2 =	stileid.u32  }
0x3d: {  	s1 =	rddreg [dreg:$0x1];
	p0 =	sne.s32 s2, $0x0  }
0x3e: {  	s3 =	rddreg [dreg:$0x2];
	[bflag:$0x3] =	sbarrier.arrive $0xFFFF;
	s2 =	simm.s32 @!p0 $0x1C01  }
0x3f: {  	[timem:s3], [sflag:s2] =	dma.local @!p0 [hbm:s0], s1  }
0x40: {  	s0 =	simm.s32 @!p0 $0x1  }
0x41: {  	_ =	swait.ge @!p0 [sflag:s0], s1  }
0x42: {  	s1 =	ssub.s32 @!p0 $0x0, s1;
	[sflag:s0] =	ssyncset.done @!p0 $0x0  }
0x43: {  	[sflag:s0] =	ssyncadd.s32 @!p0 s1  }
0x44: {  	[bflag:$0x3] =	sbarrier.arrive $0xFFFF  }
0x45: {  	_ =	shalt  }

// kernel: kernel.9.cloned.1.call-start
scs
__scs_entry_jumppad:
0x0: {  	(pc) =	sbr.rel $0x88, $3  }
0x1: {  	(tag) =	ssettag $0x0;
	lr =	simm.s32 $0x1  }
0x2: {  	[smem:$0x3F99] =	sst lr;
	_ =	strace $0xD0000000  }
0x3: {  	_ = 	snop  }
0x4: {  	_ = 	snop  }
0x5: {  	_ = 	snop  }
0x6: {  	_ = 	snop  }
0x7: {  	_ = 	snop  }
__scs_overlays_trampoline_lowered:
0x8: {  	[smem:$0x3FA8] =	sst s0  }
0x9: {  	[smem:$0x3FA9] =	sst s1  }
0xa: {  	[smem:$0x3FAA] =	sst s2  }
0xb: {  	[smem:$0x3FAB] =	sst s3  }
0xc: {  	[smem:$0x3FAC] =	sst s4  }
0xd: {  	[smem:$0x3FAD] =	sst s5  }
0xe: {  	[smem:$0x3FAE] =	sst s6  }
0xf: {  	[smem:$0x3FAF] =	sst s7  }
0x10: {  	[smem:$0x3FB0] =	sst s8  }
0x11: {  	[smem:$0x3FB1] =	sst s9;
	s0 =	simm.s32 @!p0 $0x0  }
0x12: {  	s1 =	sld [smem:$0x3F97];
	s0 =	simm.s32 @p0 $0x1  }
0x13: {  	[smem:$0x3FB2] =	sst s0;
	s0 =	simm.s32 @!p1 $0x0  }
0x14: {  	s2 =	sld [smem:$0x3F96];
	s0 =	simm.s32 @p1 $0x1  }
0x15: {  	[smem:$0x3FB3] =	sst s0;
	s0 =	simm.s32 @!p2 $0x0  }
0x16: {  	s3 =	sld [smem:$0x3FDB];
	s0 =	simm.s32 @p2 $0x1  }
0x17: {  	s4 =	simm.s32 $0x1BF5;
	[smem:$0x3FB5] =	sst s0  }
0x18: {  	s0 =	sld [smem:$0x3F98];
	_ =	swait.ge [sflag:s4], $0x0  }
0x19: {  	s7 =	sld [smem:$0x3F99]  }
0x1a: {  	s8 =	sadd.s32 $0xFFFFE003, lr  }
0x1b: {  	s9 =	sadd.s32 $0xFFFFFEF7, lr;
	s5 =	simm.s32 $0xFFFFFFFF;
	p2 =	slt.u32 s8, $0xFFFFF086  }
0x1c: {  	p1 =	slt.u32 s9, $0xF7A;
	s5 =	simm.s32 @!p2 $0x0  }
0x1d: {  	s5 =	simm.s32 @p1 $0x1;
	p0 =	seq.s32 s7, s2  }
0x1e: {  	s7 =	smul.u32 @!p0 $0xF7A, s2;
	p2 =	seq.s32 @!p0 s5, $0x0  }
0x1f: {  	s9 =	smul.u32 $0xF7A, s1;
	s8 =	simm.s32 @!p0 $0x1BF5;
	p2 =	por !p2, p0  }
0x20: {  	[sflag:s8] =	ssyncset.s32 @!p0 $0xFFFFF086;
	s6 =	sadd.s32 @!p0 s3, s7;
	s7 =	simm.s32 @!p0 $0x108  }
0x21: {  	s3 =	sadd.s32 s3, s9;
	s6 =	sadd.s32 @!p0 $0x88, s6;
	s7 =	simm.s32 @p2 $0x1082  }
0x22: {  	[simem:s7], [sflag:s8] =	dma.local @!p0 [hbm:s6], $0xF7A  }
0x23: {  	s9 =	sor.u32 $0xD0000000, s2;
	s6 =	simm.s32 $0x108;
	_ =	swait.ge @!p0 [sflag:s8], $0x0  }
0x24: {  	s3 =	sadd.s32 $0x88, s3;
	s6 =	simm.s32 @!p1 $0x1082;
	[sflag:s4] =	ssyncset.s32 $0xFFFFF086  }
0x25: {  	[simem:s6], [sflag:s4] =	dma.local [hbm:s3], $0xF7A  }
0x26: {  	[smem:$0x3F99] =	sst s1;
	(tag) =	ssettag s2;
	_ =	strace s9  }
0x27: {  	s1 =	sld [smem:$0x3FA9]  }
0x28: {  	s2 =	sld [smem:$0x3FAA]  }
0x29: {  	s4 =	sld [smem:$0x3FAC]  }
0x2a: {  	p0 =	seq.s32 s5, $0x0;
	s5 =	sld [smem:$0x3FAD]  }
0x2b: {  	s6 =	sld [smem:$0x3FAE]  }
0x2c: {  	s7 =	sld [smem:$0x3FAF]  }
0x2d: {  	s3 =	simm.s32 $0x108;
	s8 =	sld [smem:$0x3FB0]  }
0x2e: {  	s3 =	simm.s32 @!p0 $0x1082;
	s9 =	sld [smem:$0x3FB1]  }
0x2f: {  	lr =	sadd.s32 s0, s3;
	s0 =	sld [smem:$0x3FA8]  }
0x30: {  	s3 =	sld [smem:$0x3FAB]  }
0x31: {  	[smem:$0x3FB4] =	sst s10  }
0x32: {  	s10 =	sld [smem:$0x3FB2];
	_ =	sdelay $0x3  }
0x33: {  	p0 =	seq.s32 s10, $0x1;
	s10 =	sld [smem:$0x3FB4];
	_ =	sdelay $0x3  }
0x34: {  	[smem:$0x3FB4] =	sst s10  }
0x35: {  	s10 =	sld [smem:$0x3FB3];
	_ =	sdelay $0x3  }
0x36: {  	p1 =	seq.s32 s10, $0x1;
	s10 =	sld [smem:$0x3FB4];
	_ =	sdelay $0x3  }
0x37: {  	[smem:$0x3FB4] =	sst s10  }
0x38: {  	s10 =	sld [smem:$0x3FB5]  }
0x39: {  	_ = 	snop;
	(pc) =	sbr.ind lr, $3  }
0x3a: {  	_ = 	snop  }
0x3b: {  	_ = 	snop  }
0x3c: {  	p2 =	seq.s32 s10, $0x1;
	s10 =	sld [smem:$0x3FB4]  }
0x3d: {  	_ =	shalt  }
0x3e: {  	_ =	shalt  }
0x3f: {  	_ =	shalt  }
0x40: {  	_ =	shalt  }
0x41: {  	_ =	shalt  }
0x42: {  	_ =	shalt  }
0x43: {  	_ =	shalt  }
0x44: {  	_ =	shalt  }
0x45: {  	_ =	shalt  }
0x46: {  	_ =	shalt  }
0x47: {  	_ =	shalt  }
0x48: {  	_ =	shalt  }
0x49: {  	_ =	shalt  }
0x4a: {  	_ =	shalt  }
0x4b: {  	_ =	shalt  }
0x4c: {  	_ =	shalt  }
0x4d: {  	_ =	shalt  }
0x4e: {  	_ =	shalt  }
0x4f: {  	_ =	shalt  }
0x50: {  	_ =	shalt  }
0x51: {  	_ =	shalt  }
0x52: {  	_ =	shalt  }
0x53: {  	_ =	shalt  }
0x54: {  	_ =	shalt  }
0x55: {  	_ =	shalt  }
0x56: {  	_ =	shalt  }
0x57: {  	_ =	shalt  }
0x58: {  	_ =	shalt  }
0x59: {  	_ =	shalt  }
0x5a: {  	_ =	shalt  }
0x5b: {  	_ =	shalt  }
0x5c: {  	_ =	shalt  }
0x5d: {  	_ =	shalt  }
0x5e: {  	_ =	shalt  }
0x5f: {  	_ =	shalt  }
0x60: {  	_ =	shalt  }
0x61: {  	_ =	shalt  }
0x62: {  	_ =	shalt  }
0x63: {  	_ =	shalt  }
0x64: {  	_ =	shalt  }
0x65: {  	_ =	shalt  }
0x66: {  	_ =	shalt  }
0x67: {  	_ =	shalt  }
0x68: {  	_ =	shalt  }
0x69: {  	_ =	shalt  }
0x6a: {  	_ =	shalt  }
0x6b: {  	_ =	shalt  }
0x6c: {  	_ =	shalt  }
0x6d: {  	_ =	shalt  }
0x6e: {  	_ =	shalt  }
0x6f: {  	_ =	shalt  }
0x70: {  	_ =	shalt  }
0x71: {  	_ =	shalt  }
0x72: {  	_ =	shalt  }
0x73: {  	_ =	shalt  }
0x74: {  	_ =	shalt  }
0x75: {  	_ =	shalt  }
0x76: {  	_ =	shalt  }
0x77: {  	_ =	shalt  }
0x78: {  	_ =	shalt  }
0x79: {  	_ =	shalt  }
0x7a: {  	_ =	shalt  }
0x7b: {  	_ =	shalt  }
0x7c: {  	_ =	shalt  }
0x7d: {  	_ =	shalt  }
0x7e: {  	_ =	shalt  }
0x7f: {  	_ =	shalt  }
0x80: {  	_ =	shalt  }
0x81: {  	_ =	shalt  }
0x82: {  	_ =	shalt  }
0x83: {  	_ =	shalt  }
0x84: {  	_ =	shalt  }
0x85: {  	_ =	shalt  }
0x86: {  	_ =	shalt  }
0x87: {  	_ =	shalt  }
.Lfunc_end0:
.L_simem_size_0:
called_computation.1_lowered:
.L_overlay_start_0:
0x88: {  	s2 =	sld [smem:$0x3FD9]  }
0x89: {  	s3 =	sld [smem:$0x3FFE];
	_ =	sdelay $0x1  }
0x8a: {  	s1 =	srdreg.scid  }
0x8b: {  	s0 =	sand.u32 $0x1, s1  }
0x8c: {  	s16 =	sshll.u32 s0, $0xA;
	s2 =	sadd.s32 s3, s2  }
0x8d: {  	s2 =	sadd.s32 s2, s16  }
0x8e: {  	[smem:$0x3FC0] =	sst s2  }
0x8f: {  	_ = 	snop  }
0x90: {  	(tm) =	ssettm $0x1  }
0x91: {  	s17 =	sld [smem:$0x3FFB];
	_ =	sdelay $0x3  }
0x92: {  	_ =	strace s17  }
0x93: {  	s2 =	sld [smem:$0x3FFC];
	_ =	sdelay $0x3  }
0x94: {  	_ =	strace s2  }
0x95: {  	s2 =	sld [smem:$0x3FFD];
	_ =	sdelay $0x3  }
0x96: {  	_ =	strace s2  }
0x97: {  	_ =	strace $0x8FFFFFFF  }
0x98: {  	s18 =	sld [smem:$0x3FDB];
	_ =	sdelay $0x1  }
0x99: {  	s19 =	simm.s32 $_scs_section_size  }
0x9a: {  	s4 =	simm.s32 $_size__tile_overlayer_lowered;
	s5 =	simm.s32 $_tile_overlayer_lowered  }
0x9b: {  	s22 =	simm.s32 $0x1BFF;
	s21 =	sshll.u32 s5, $0x1;
	s2 =	sadd.s32 s19, s18  }
0x9c: {  	s6 =	simm.s32 $0x0;
	s20 =	sshll.u32 s4, $0x1;
	s4 =	sadd.s32 s21, s2  }
0x9d: {  	[timem:s6], [sflag:s22] =	dma.local [hbm:s4], s20  }
0x9e: {  	_ =	swait.ge [sflag:s22], s20  }
0x9f: {  	s3 =	ssub.s32 $0x0, s20;
	[sflag:s22] =	ssyncset.done $0x0  }
0xa0: {  	[sflag:s22] =	ssyncadd.s32 s3;
	_ =	sdelay $0x1  }
0xa1: {  	s23 =	simm.s32 $0x1B8B  }
0xa2: {  	_ =	swait.ge [sflag:s23], $0x1  }
0xa3: {  	[sflag:s23] =	ssyncset.done $0x0  }
0xa4: {  	s25 =	simm.s32 $0x1B8E;
	s24 =	sld [smem:$0x3FFE];
	[sflag:s23] =	ssyncadd.s32 $0xFFFFFFFF  }
0xa5: {  	s26 =	simm.s32 $execute0_lowered;
	[smem:$0x3FD2] =	sst s25  }
0xa6: {  	s4 =	sshll.u32 s26, $0x1;
	_ =	strace $0x80000049;
	[dreg:$0x1] =	wrdreg $0xFFFFFFFF  }
0xa7: {  	s28 =	simm.s32 $_size_execute0_lowered;
	s2 =	sadd.s32 s2, s4;
	[dreg:$0x0] =	wrdreg $0x0  }
0xa8: {  	s4 =	sshll.u32 s28, $0x1;
	[dreg:$0x2] =	wrdreg s2  }
0xa9: {  	[dreg:$0x3] =	wrdreg s4  }
0xaa: {  	[dreg:$0x4] =	wrdreg $0xC0  }
0xab: {  	_ =	task [dreg:s6], $0x5FFFF  }
0xac: {  	[dreg:$0x1] =	wrdreg $0xFFFFFFFF  }
0xad: {  	[dreg:$0x0] =	wrdreg $0x60  }
0xae: {  	[dreg:$0x2] =	wrdreg s24  }
0xaf: {  	[dreg:$0x3] =	wrdreg $0x14A00  }
0xb0: {  	[dreg:$0x4] =	wrdreg $0x9  }
0xb1: {  	_ =	task.clear_ibuf [dreg:s6], $0x5FFFF;
	_ =	strace $0x90000049  }
0xb2: {  	s29 =	simm.s32 $0x9;
	_ =	strace $0x8000004B  }
0xb3: {  	_ =	swait.ge [sflag:s29], $0x1  }
0xb4: {  	[sflag:s29] =	ssyncadd.s32 $0xFFFFFFFF  }
0xb5: {  	_ =	strace $0x9000004B  }
0xb6: {  	_ =	sfence  }
0xb7: {  	s30 =	sld [smem:$0x0];
	_ =	sdelay $0x2  }
0xb8: {  	s31 =	sshll.u32 s1, $0xD;
	s1 =	sshrl.u32 s1, $0x2  }
0xb9: {  	s3 =	sand.u32 $0x4000, s31;
	s1 =	sadd.s32 s1, s30  }
0xba: {  	s0 =	sor.u32 s3, s0;
	s1 =	sshll.u32 s1, $0x11  }
0xbb: {  	s0 =	sor.u32 s1, s0  }
0xbc: {  	s0 =	sadd.s32 $0x8F2B, s0  }
0xbd: {  	[sflag:s0] =	ssyncadd.remote.s32 $0x1  }
0xbe: {  	_ =	sfence.sel $0xFFFF  }
0xbf: {  	[dreg:$0x0] =	wrdreg $0xFFFFFFFF;
	(pc) =	sbr.abs _section_cstart, $3  }
0xc0: {  	[dreg:$0x1] =	wrdreg $0xFFFFFFFF  }
0xc1: {  	_ =	task.clear_ibuf [dreg:s6], $0x2FFFF;
	_ =	strace $0x9FFFFFFF  }
0xc2: {  	(tm) =	ssettm $0x7FFFFFFF  }
0xc3: {  	_ =	shalt  }
tec
execute0_lowered:
.L_overlay_start_1:
0x0: {  	(tag) =	ssettag $0x1  }
0x1: {  	s5 =	rddreg [dreg:$0x0]  }
0x2: {  	s0 =	srdreg.scid;
	s2 =	rddreg [dreg:$0x1]  }
0x3: {  	s1 =	rddreg [dreg:$0x2];
	s4 =	sand.u32 $0x1, s0  }
0x4: {  	s3 =	simm.s32 $0x0;
	s0 =	stileid.u32;
	s6 =	smul.u32 $0x27100, s4  }
0x5: {  	s13 =	simm.s32 $0x50;
	s14 =	simm.s32 $0xA0;
	s7 =	smul.u32 $0x2710, s0  }
0x6: {  	s15 =	simm.s32 $0x1;
	[smem:$0x7FF] =	sst s3;
	s8 =	smul.u32 $0xA000, s0  }
0x7: {  	s16 =	simm.s32 $0x0;
	s9 =	smul.u32 $0xA0000, s4;
	_ =	strace $0x8000004A  }
0x8: {  	s26 =	ssub.s32 $0x2, s4;
	s4 =	sadd.s32 $0x15600, s5;
	s31 =	sshll.u32 s0, $0x6  }
0x9: {  	s29 =	sshrl.u32 s26, $0x1;
	s6 =	sadd.s32 s7, s6;
	s25 =	sadd.s32 s8, s9  }
0xa: {  	s9 =	ssub.s32 s26, s29;
	s12 =	sadd.s32 s8, s2;
	s30 =	sshrl.u32 s8, $0x3  }
0xb: {  	s6 =	sshrl.u32 s6, $0x3;
	s28 =	sshrl.u32 s25, $0x3;
	s8 =	smax.u32 s9, $0x1  }
0xc: {  	s10 =	sadd.s32 s6, s5;
	s11 =	sadd.s32 s28, s5;
	s5 =	sadd.s32 s4, s30  }
0xd: {  	s6 =	sor.u32 $0x1C02, s31;
	s7 =	sadd.s32 $0x29600, s11;
	s9 =	sadd.s32 $0x1A00, s10  }
0xe: {  	s10 =	sadd.s32 $0xB800, s10;
	s11 =	sshrl.u32 s12, $0x3;
	s12 =	simm.s32 $0x2  }
.LBB2_1:
0xf: {  	[spmem:s11], [sflag:s6] =	dma.local [hbm:s5], $0x1400  }
0x10: {  	_ =	swait.ge [sflag:s12], $0x1400  }
0x11: {  	[sflag:s12] =	ssyncset.done $0x0  }
0x12: {  	[sflag:s12] =	ssyncadd.s32 $0xFFFFEC00  }
0x13: {  	s17 =	sadd.s32 $0x0, s10;
	[bflag:$0x0] =	sbarrier.arrive $0xFFFF  }
0x14: {  	[tilespmem:s3], [sflag:$0x2] =	stream.linear.gather [hbm4b:s17+s3], $0x50, $0x38;
	[tilespmem:$0xB4A0] =	vst v63  }
0x15: {  	_ =	swait.ge [sflag:s12], $0x50  }
0x16: {  	[sflag:s12] =	ssyncset.done $0x0  }
0x17: {  	s31 =	sadd.s32 $0x0, s9;
	[sflag:s12] =	ssyncadd.s32 $0xFFFFFFB0  }
0x18: {  	[tilespmem:s13], [sflag:$0x2] =	stream.linear.gather [hbm4b:s31+s3], $0x50, $0x38;
	[tilespmem:$0xB4A0] =	vst v63  }
0x19: {  	_ =	swait.ge [sflag:s12], $0x50  }
0x1a: {  	[sflag:s12] =	ssyncset.done $0x0  }
0x1b: {  	[sflag:s12] =	ssyncadd.s32 $0xFFFFFFB0  }
0x1c: {  	[tilespmem:s14], [sflag:$0x1] =	stream.indirect.gather [hbm4b:s4+s13], $0x40, s3, s13, $0xb8;
	[tilespmem:$0xB4A0] =	vst v63  }
0x1d: {  	_ =	swait.ge [sflag:s15], $0x1400  }
0x1e: {  	[sflag:s15] =	ssyncset.done $0x0  }
0x1f: {  	[sflag:s15] =	ssyncadd.s32 $0xFFFFEC00  }
0x20: {  	[spmem:s2] =	stream.indirect.scatter.add.f32 [tilespmem:s14], [sflag:$0x2], $0x40, s13, s13, $0xb8;
	[tilespmem:$0xB4A0] =	vst v63  }
0x21: {  	_ =	swait.ge [sflag:s12], $0x1400  }
0x22: {  	s18 =	simm.s32 $0x14;
	s17 =	simm.s32 $0xA;
	[sflag:s12] =	ssyncset.done $0x0  }
.LBB2_2:
0x23: {  	s19 =	sadd.s32 s17, s10  }
0x24: {  	[sflag:s12] =	ssyncadd.s32 $0xFFFFEC00;
	s20 =	smov.u32 s18;
	s21 =	sadd.s32 $0xA, s18  }
0x25: {  	[tilespmem:s3], [sflag:$0x2] =	stream.linear.gather [hbm4b:s19+s3], $0x50, $0x38;
	[tilespmem:$0xB4A0] =	vst v63  }
0x26: {  	p0 =	sne.s32 s18, $0x4D8;
	_ =	swait.ge [sflag:s12], $0x50  }
0x27: {  	[sflag:s12] =	ssyncset.done $0x0  }
0x28: {  	s18 =	sadd.s32 s17, s9;
	s17 =	smov.u32 s20;
	[sflag:s12] =	ssyncadd.s32 $0xFFFFFFB0  }
0x29: {  	[tilespmem:s13], [sflag:$0x2] =	stream.linear.gather [hbm4b:s18+s3], $0x50, $0x38;
	[tilespmem:$0xB4A0] =	vst v63  }
0x2a: {  	_ =	swait.ge [sflag:s12], $0x50  }
0x2b: {  	[sflag:s12] =	ssyncset.done $0x0  }
0x2c: {  	[sflag:s12] =	ssyncadd.s32 $0xFFFFFFB0  }
0x2d: {  	[tilespmem:s14], [sflag:$0x1] =	stream.indirect.gather [hbm4b:s4+s13], $0x40, s3, s13, $0xb8;
	[tilespmem:$0xB4A0] =	vst v63  }
0x2e: {  	_ =	swait.ge [sflag:s15], $0x1400  }
.Ltmp0:
0x2f: {  	[sflag:s15] =	ssyncset.done $0x0;
	(pc) =	sbr.rel @p0 .LBB2_2-.Ltmp0, $4  }
0x30: {  	[sflag:s15] =	ssyncadd.s32 $0xFFFFEC00  }
0x31: {  	[spmem:s2] =	stream.indirect.scatter.add.f32 [tilespmem:s14], [sflag:$0x2], $0x40, s13, s13, $0xb8;
	[tilespmem:$0xB4A0] =	vst v63  }
0x32: {  	_ =	swait.ge [sflag:s12], $0x1400  }
0x33: {  	s18 =	smov.u32 s21;
	[sflag:s12] =	ssyncset.done $0x0  }
0x34: {  	s18 =	sadd.s32 s17, s10;
	[sflag:s12] =	ssyncadd.s32 $0xFFFFEC00  }
0x35: {  	[tilespmem:s3], [sflag:$0x2] =	stream.linear.gather [hbm4b:s18+s3], $0x50, $0x38;
	[tilespmem:$0xB4A0] =	vst v63  }
0x36: {  	_ =	swait.ge [sflag:s12], $0x50  }
0x37: {  	[sflag:s12] =	ssyncset.done $0x0  }
0x38: {  	s31 =	sadd.s32 s17, s9;
	[sflag:s12] =	ssyncadd.s32 $0xFFFFFFB0  }
0x39: {  	[tilespmem:s13], [sflag:$0x2] =	stream.linear.gather [hbm4b:s31+s3], $0x50, $0x38;
	[tilespmem:$0xB4A0] =	vst v63  }
0x3a: {  	_ =	swait.ge [sflag:s12], $0x50  }
0x3b: {  	[sflag:s12] =	ssyncset.done $0x0  }
0x3c: {  	[sflag:s12] =	ssyncadd.s32 $0xFFFFFFB0  }
0x3d: {  	[tilespmem:s14], [sflag:$0x1] =	stream.indirect.gather [hbm4b:s4+s13], $0x40, s3, s13, $0xb8;
	[tilespmem:$0xB4A0] =	vst v63  }
0x3e: {  	_ =	swait.ge [sflag:s15], $0x1400  }
0x3f: {  	[sflag:s15] =	ssyncset.done $0x0  }
0x40: {  	[sflag:s15] =	ssyncadd.s32 $0xFFFFEC00  }
0x41: {  	[spmem:s2] =	stream.indirect.scatter.add.f32 [tilespmem:s14], [sflag:$0x2], $0x40, s13, s13, $0xb8;
	[tilespmem:$0xB4A0] =	vst v63  }
0x42: {  	_ =	swait.ge [sflag:s12], $0x1400  }
0x43: {  	s16 =	sadd.s32 $0x1, s16;
	[sflag:s12] =	ssyncset.done $0x0  }
0x44: {  	p0 =	sne.s32 s16, s8;
	[sflag:s12] =	ssyncadd.s32 $0xFFFFEC00  }
.Ltmp1:
0x45: {  	[bflag:$0x0] =	sbarrier.arrive $0xFFFF;
	(pc) =	sbr.rel @p0 .LBB2_1-.Ltmp1, $4  }
0x46: {  	[hbm:s7], [sflag:s6] =	dma.local [spmem:s11], $0x1400  }
0x47: {  	_ =	swait.ge [sflag:s12], $0x1400  }
0x48: {  	[sflag:s12] =	ssyncset.done $0x0  }
0x49: {  	[sflag:s12] =	ssyncadd.s32 $0xFFFFEC00  }
0x4a: {  	_ =	sfence.sel $0x180000  }
0x4b: {  	[bflag:$0x0] =	sbarrier.arrive $0xFFFF  }
0x4c: {  	p0 =	sne.s32 s0, $0x0;
	_ =	strace $0x9000004A  }
0x4d: {  	s0 =	sadd.s32 @!p0 $0x100000, s1;
	[bflag:$0x2] =	sbarrier.arrive $0xFFFF  }
0x4e: {  	[sflag:s0] =	ssyncadd.tile.s32 @!p0 $0x1;
	_ =	shalt  }
.Lfunc_end2:
_tile_overlayer_lowered:
.L_overlay_start_2:
0x4f: {  	(tag) =	ssettag $0x2  }
0x50: {  	s0 =	rddreg [dreg:$0x0];
	s2 =	stileid.u32  }
0x51: {  	s1 =	rddreg [dreg:$0x1];
	p0 =	sne.s32 s2, $0x0  }
0x52: {  	s3 =	rddreg [dreg:$0x2];
	[bflag:$0x3] =	sbarrier.arrive $0xFFFF;
	s2 =	simm.s32 @!p0 $0x1C02  }
0x53: {  	[timem:s3], [sflag:s2] =	dma.local @!p0 [hbm:s0], s1  }
0x54: {  	s0 =	simm.s32 @!p0 $0x2  }
0x55: {  	_ =	swait.ge @!p0 [sflag:s0], s1  }
0x56: {  	s1 =	ssub.s32 @!p0 $0x0, s1;
	[sflag:s0] =	ssyncset.done @!p0 $0x0  }
0x57: {  	[sflag:s0] =	ssyncadd.s32 @!p0 s1  }
0x58: {  	[bflag:$0x3] =	sbarrier.arrive $0xFFFF  }
0x59: {  	_ =	shalt  }

</sc_bundles>
